<compile_context>
chip_gen: v7x
topology: tpu7x:2x2x1
jax: 0.10.2.dev20260603
libtpu: 0.0.44.dev20260713+nightly
codegen_flags: <defaults>
</compile_context>

<pallas_src>
import dataclasses
import functools

import jax
import jax.numpy as jnp
from jax import lax
from jax.experimental import pallas as pl
from jax.experimental.pallas import tpu as pltpu
from jax.experimental.pallas import tpu_sc as plsc

N = 10000
E = 320000
D = 128

NC = 2
NS = 16
NW = NC * NS
EPW = E // NW
BATCH = 128
NFULL = EPW // BATCH
TAIL = EPW - NFULL * BATCH
RPW = 624
REM = N - NS * RPW
ZCH = 78
ECH = 2000

_mesh = lambda: plsc.VectorSubcoreMesh(core_axis_name="c", subcore_axis_name="s")


def _sc_params():
    cp = pltpu.CompilerParams()
    if "needs_layout_passes" in pltpu.CompilerParams.__dataclass_fields__:
        cp = dataclasses.replace(cp, needs_layout_passes=False)
    return cp


def _deg_call(src, dst):
    @functools.partial(
        pl.kernel,
        out_type=(
            jax.ShapeDtypeStruct((NC, NS, N), jnp.float32),
            jax.ShapeDtypeStruct((NC, NS, N), jnp.float32),
        ),
        mesh=_mesh(),
        compiler_params=_sc_params(),
        scratch_types=[
            pltpu.VMEM((ECH,), jnp.int32),
            pltpu.VMEM((ECH,), jnp.int32),
            pltpu.VMEM((N,), jnp.float32),
            pltpu.VMEM((N,), jnp.float32),
        ],
    )
    def deg_kernel(src_hbm, dst_hbm, outs_hbm, outd_hbm, sbuf, dbuf,
                   shist, dhist):
        core = lax.axis_index("c")
        sid = lax.axis_index("s")
        wid = sid * NC + core

        @pl.loop(0, N, step=16)
        def _(r):
            shist[pl.ds(r, 16)] = jnp.zeros((16,), jnp.float32)
            dhist[pl.ds(r, 16)] = jnp.zeros((16,), jnp.float32)

        ebase = wid * EPW
        ones16 = jnp.ones((16,), jnp.float32)

        @pl.loop(0, EPW // ECH)
        def _(c):
            off = ebase + c * ECH
            pltpu.sync_copy(src_hbm.at[pl.ds(off, ECH)], sbuf)
            pltpu.sync_copy(dst_hbm.at[pl.ds(off, ECH)], dbuf)

            @pl.loop(0, ECH, step=16)
            def _(k):
                plsc.addupdate_scatter(shist, [sbuf[pl.ds(k, 16)]], ones16)
                plsc.addupdate_scatter(dhist, [dbuf[pl.ds(k, 16)]], ones16)

        pltpu.sync_copy(shist, outs_hbm.at[core].at[sid])
        pltpu.sync_copy(dhist, outd_hbm.at[core].at[sid])

    return deg_kernel(src, dst)


NBW = 80
EPAD = NW * NBW * BATCH
NPAD = 8


def _agg_call(hp, srcp, dst2p):
    PH = 2
    PB = NBW // PH

    @functools.partial(
        pl.kernel,
        out_type=jax.ShapeDtypeStruct((NC, N, D), jnp.float32),
        mesh=_mesh(),
        scratch_types=[
            pltpu.VMEM((PB * BATCH,), jnp.int32),
            pltpu.VMEM((PB, BATCH), jnp.int32),
            pltpu.VMEM((BATCH, D), jnp.float32),
            pltpu.VMEM((BATCH, D), jnp.float32),
            pltpu.VMEM_SHARED((N, D), jnp.float32),
            pltpu.SemaphoreType.DMA,
            pltpu.SemaphoreType.DMA,
        ],
    )
    def agg_kernel(h_hbm, src_hbm, dst2_hbm, out_hbm, sbuf, dbuf, rows_a,
                   rows_b, agg_sh, sem_a, sem_b):
        core = lax.axis_index("c")
        sid = lax.axis_index("s")
        wid = sid * NC + core

        def gather_start(j, rows, sem):
            pltpu.async_copy(h_hbm.at[sbuf.at[pl.ds(j * BATCH, BATCH)]],
                             rows, sem)

        def gather_wait(rows, sem):
            pltpu.make_async_copy(
                h_hbm.at[sbuf.at[pl.ds(0, BATCH)]], rows, sem).wait()

        def scatter(j, rows):
            pltpu.sync_copy(rows, agg_sh.at[dbuf.at[j]], add=True)

        @pl.loop(0, BATCH)
        def _(r):
            @pl.loop(0, D, step=16)
            def _(c):
                rows_a[r, pl.ds(c, 16)] = jnp.zeros((16,), jnp.float32)

        base_row = sid * RPW

        @pl.loop(0, 4)
        def _(k):
            pltpu.sync_copy(rows_a,
                            agg_sh.at[pl.ds(base_row + k * BATCH, BATCH)])

        pltpu.sync_copy(rows_a.at[pl.ds(0, RPW - 4 * BATCH)],
                        agg_sh.at[pl.ds(base_row + 4 * BATCH,
                                        RPW - 4 * BATCH)])

        @pl.when(sid == NS - 1)
        def _():
            pltpu.sync_copy(rows_a.at[pl.ds(0, REM)],
                            agg_sh.at[pl.ds(NS * RPW, REM)])

        plsc.subcore_barrier()

        @pl.loop(0, PH)
        def _(p):
            gbase = wid * NBW + p * PB
            pltpu.sync_copy(
                src_hbm.at[pl.ds(gbase * BATCH, PB * BATCH)], sbuf)
            pltpu.sync_copy(dst2_hbm.at[pl.ds(gbase, PB)], dbuf)

            gather_start(0, rows_a, sem_a)

            @pl.loop(0, PB // 2)
            def _(i):
                j0 = 2 * i
                gather_start(j0 + 1, rows_b, sem_b)
                gather_wait(rows_a, sem_a)
                scatter(j0, rows_a)
                gather_start(jnp.minimum(j0 + 2, PB - 1), rows_a, sem_a)
                gather_wait(rows_b, sem_b)
                scatter(j0 + 1, rows_b)

            gather_wait(rows_a, sem_a)

        plsc.subcore_barrier()
        pltpu.sync_copy(agg_sh.at[pl.ds(base_row, RPW)],
                        out_hbm.at[core].at[pl.ds(base_row, RPW)])

        @pl.when(sid == NS - 1)
        def _():
            pltpu.sync_copy(agg_sh.at[pl.ds(NS * RPW, REM)],
                            out_hbm.at[core].at[pl.ds(NS * RPW, REM)])

    return agg_kernel(hp, srcp, dst2p)


_BN = 2000


def _h_body(x_ref, degp_ref, h_ref):
    deg = jnp.sum(degp_ref[...], axis=1)
    s = lax.rsqrt(jnp.maximum(deg, 1.0))
    h_ref[...] = x_ref[...] * s[:, None]


def _h_call(x, degp_t):
    return pl.pallas_call(
        _h_body,
        grid=(N // _BN,),
        in_specs=[
            pl.BlockSpec((_BN, D), lambda i: (i, 0)),
            pl.BlockSpec((_BN, NW), lambda i: (i, 0)),
        ],
        out_specs=pl.BlockSpec((_BN, D), lambda i: (i, 0)),
        out_shape=jax.ShapeDtypeStruct((N, D), jnp.float32),
    )(x, degp_t)


def _final_body(agg_ref, degp_ref, x_ref, w_ref, b_ref, o_ref):
    agg = agg_ref[0] + agg_ref[1]
    deg = jnp.sum(degp_ref[...], axis=1)
    ndst = lax.rsqrt(jnp.maximum(deg, 1.0))
    a = agg * ndst[:, None]
    x1 = jnp.dot(a, w_ref[...], preferred_element_type=jnp.float32)
    x1 = x1 + b_ref[0][None, :]
    mean = jnp.mean(x1, axis=1, keepdims=True)
    var = jnp.mean((x1 - mean) * (x1 - mean), axis=1, keepdims=True)
    x1 = (x1 - mean) * lax.rsqrt(var + 1e-5)
    o_ref[...] = jnp.maximum(x1, 0.0) + x_ref[...]


def _final_call(aggparts, degp_t, x, W, b):
    return pl.pallas_call(
        _final_body,
        grid=(N // _BN,),
        in_specs=[
            pl.BlockSpec((NC, _BN, D), lambda i: (0, i, 0)),
            pl.BlockSpec((_BN, NW), lambda i: (i, 0)),
            pl.BlockSpec((_BN, D), lambda i: (i, 0)),
            pl.BlockSpec((D, D), lambda i: (0, 0)),
            pl.BlockSpec((1, D), lambda i: (0, 0)),
        ],
        out_specs=pl.BlockSpec((_BN, D), lambda i: (i, 0)),
        out_shape=jax.ShapeDtypeStruct((N, D), jnp.float32),
    )(aggparts, degp_t, x, W, b.reshape(1, D))


def kernel(x, edge_index, W, b):
    src = edge_index[0]
    dst = edge_index[1]
    degs, degd = _deg_call(src, dst)
    degs_t = degs.reshape(NW, N).T
    degd_t = degd.reshape(NW, N).T
    h = _h_call(x, degs_t)
    pad = jnp.arange(EPAD - E, dtype=jnp.int32) % NPAD
    srcp = jnp.concatenate([src, pad + N])
    dst2p = jnp.concatenate([dst, pad]).reshape(EPAD // BATCH, BATCH)
    hp = jnp.concatenate([h, jnp.zeros((NPAD, D), jnp.float32)], axis=0)
    aggparts = _agg_call(hp, srcp, dst2p)
    return _final_call(aggparts, degd_t, x, W, b)

# --- scband reference (transcript-rebuilt; emitter-appended) ---
"""Pipeline reference for scband-gnnbasic-block-31121333027067 (READ-ONLY COPY).

The authoritative reference and input builder live on the scoring server;
editing this copy changes nothing except your own understanding.
"""

import jax, jax.numpy as jnp
import numpy as np

N = 10000
E = 320000
D = 128

def setup_inputs(seed: int = 0) -> dict:
    key = jax.random.key(seed)
    k1, k2, k3, k4 = jax.random.split(key, 4)
    x = jax.random.normal(k1, (N, D), dtype=jnp.float32)
    edge_index = jax.random.randint(k2, (2, E), 0, N, dtype=jnp.int32)
    # GraphConv weight [in_channels, out_channels] and bias [out_channels]
    W = jax.random.normal(k3, (D, D), dtype=jnp.float32) * 0.05
    b = jnp.zeros((D,), dtype=jnp.float32)
    return {"x": x, "edge_index": edge_index, "W": W, "b": b}

def reference(x, edge_index, W, b):
    # DGL GraphConv with norm='both':
    #   h_v = ( sum_{(u->v) in E} x_u / sqrt(d_out(u)) ) / sqrt(d_in(v)) @ W + b
    src = edge_index[0]
    dst = edge_index[1]
    ones = jnp.ones((src.shape[0],), dtype=x.dtype)
    deg_out = jax.ops.segment_sum(ones, src, num_segments=N)
    deg_in = jax.ops.segment_sum(ones, dst, num_segments=N)
    norm_src = jax.lax.rsqrt(jnp.maximum(deg_out, 1.0))
    norm_dst = jax.lax.rsqrt(jnp.maximum(deg_in, 1.0))
    h = x * norm_src[:, None]
    msg = jnp.take(h, src, axis=0)              # gather over edges
    agg = jax.ops.segment_sum(msg, dst, num_segments=N)  # scatter-add to dst nodes
    agg = agg * norm_dst[:, None]
    x1 = agg @ W + b
    # block_type 'n_a_r': NodeNorm -> ReLU -> residual add
    mean = jnp.mean(x1, axis=1, keepdims=True)
    var = jnp.var(x1, axis=1, keepdims=True)    # biased (unbiased=False)
    std = jnp.sqrt(var + 1e-5)
    x1 = (x1 - mean) / std
    x1 = jax.nn.relu(x1)
    return x1 + x

if __name__ == "__main__":
    import jax
    _d = setup_inputs()
    print(jax.jit(kernel)(*tuple(_d.values())))

</pallas_src>

<mosaic_0001>
#map = affine_map<(d0, d1) -> (0, 0)>
#map1 = affine_map<(d0, d1) -> (0)>
#map2 = affine_map<(d0, d1) -> (0, 0, 0)>
module attributes {stable_mosaic.version = 14 : i64} {
  func.func @agg_kernel(%arg0: i32, %arg1: i32, %arg2: memref<10008x128xf32, #tpu.memory_space<hbm>>, %arg3: memref<327680xi32, #tpu.memory_space<hbm>>, %arg4: memref<2560x128xi32, #tpu.memory_space<hbm>>, %arg5: memref<2x10000x128xf32, #tpu.memory_space<hbm>>, %arg6: memref<5120xi32, #tpu.memory_space<vmem>>, %arg7: memref<40x128xi32, #tpu.memory_space<vmem>>, %arg8: memref<128x128xf32, #tpu.memory_space<vmem>>, %arg9: memref<128x128xf32, #tpu.memory_space<vmem>>, %arg10: memref<10000x128xf32, #tpu.memory_space<vmem_shared>>, %arg11: memref<!tpu.dma_semaphore, #tpu.memory_space<semaphore_mem>>, %arg12: memref<!tpu.dma_semaphore, #tpu.memory_space<semaphore_mem>>) attributes {dimension_semantics = [#tpu.dimension_semantics<core_parallel>, #tpu.dimension_semantics<subcore_parallel>], iteration_bounds = array<i64: 2, 16>, scalar_prefetch = 0 : i64, scratch_operands = 7 : i64, tpu.core_type = #tpu.core_type<sc_vector_subcore>, window_params = [{transform_indices = #map}, {transform_indices = #map1}, {transform_indices = #map}, {transform_indices = #map2}]} {
    %mul3A = arith.constant 2 : i32
    %mul3A_0 = arith.muli %arg1, %mul3A : i32
    %add3A = arith.addi %mul3A_0, %arg0 : i32
    %scan3A = arith.constant 0 : i32
    %scan3A_1 = arith.constant 128 : i32
    %scan3A_2 = arith.addi %scan3A, %scan3A_1 : i32
    %scan3A_3 = arith.constant 1 : i32
    scf.for %scan3A_27 = %scan3A to %scan3A_2 step %scan3A_3  : i32 {
      %mul3A_28 = arith.constant 1 : i32
      %mul3A_29 = arith.muli %scan3A_27, %mul3A_28 : i32
      %add3A_30 = arith.constant 0 : i32
      %add3A_31 = arith.addi %add3A_30, %mul3A_29 : i32
      %scan3A_32 = arith.constant 0 : i32
      %scan3A_33 = arith.constant 8 : i32
      %scan3A_34 = arith.addi %scan3A_32, %scan3A_33 : i32
      %scan3A_35 = arith.constant 1 : i32
      scf.for %scan3A_37 = %scan3A_32 to %scan3A_34 step %scan3A_35  : i32 {
        %mul3A_38 = arith.constant 16 : i32
        %mul3A_39 = arith.muli %scan3A_37, %mul3A_38 : i32
        %add3A_40 = arith.constant 0 : i32
        %add3A_41 = arith.addi %add3A_40, %mul3A_39 : i32
        %broadcast_in_dim3A = arith.constant 0.000000e+00 : f32
        %broadcast_in_dim3A_42 = vector.broadcast %broadcast_in_dim3A : f32 to vector<16xf32>
        %swap3A = arith.index_cast %add3A_31 : i32 to index
        %swap3A_43 = arith.index_cast %add3A_41 : i32 to index
        %swap3A_44 = tpu.vector_load %arg8[%swap3A, %swap3A_43] {strides = array<i32>} : memref<128x128xf32, #tpu.memory_space<vmem>>, vector<1x16xf32>,
        %swap3A_45 = vector.shape_cast %swap3A_44 : vector<1x16xf32> to vector<16xf32>
        %swap3A_46 = vector.shape_cast %broadcast_in_dim3A_42 : vector<16xf32> to vector<1x16xf32>
        tpu.vector_store %arg8[%swap3A, %swap3A_43], %swap3A_46 {strides = array<i32>} : memref<128x128xf32, #tpu.memory_space<vmem>>, vector<1x16xf32>,
      }
      %scan3A_36 = arith.constant 8 : i32
    }
    %scan3A_4 = arith.constant 128 : i32
    %mul3A_5 = arith.constant 624 : i32
    %mul3A_6 = arith.muli %arg1, %mul3A_5 : i32
    %scan3A_7 = arith.constant 0 : i32
    %scan3A_8 = arith.constant 4 : i32
    %scan3A_9 = arith.addi %scan3A_7, %scan3A_8 : i32
    %scan3A_10 = arith.constant 1 : i32
    scf.for %scan3A_27 = %scan3A_7 to %scan3A_9 step %scan3A_10  : i32 {
      %mul3A_28 = arith.constant 1 : i32
      %mul3A_29 = arith.muli %scan3A_27, %mul3A_28 : i32
      %add3A_30 = arith.constant 0 : i32
      %add3A_31 = arith.addi %add3A_30, %mul3A_29 : i32
      %mul3A_32 = arith.constant 128 : i32
      %mul3A_33 = arith.muli %add3A_31, %mul3A_32 : i32
      %add3A_34 = arith.addi %mul3A_6, %mul3A_33 : i32
      "tpu.region"() ({
        %run_scoped3A = tpu.sem_alloc : memref<!tpu.dma_semaphore, #tpu.memory_space<semaphore_mem>>
        %dma_start3A = arith.constant 0 : i32
        %dma_start3A_35 = tpu.memref_slice %arg10[%add3A_34, %dma_start3A] : memref<10000x128xf32, #tpu.memory_space<vmem_shared>> -> memref<128x128xf32, #tpu.memory_space<vmem_shared>>
        %dma_start3A_36 = arith.constant 0 : i32
        %dma_start3A_37 = tpu.memref_slice %arg10[%add3A_34, %dma_start3A_36] : memref<10000x128xf32, #tpu.memory_space<vmem_shared>> -> memref<128x128xf32, #tpu.memory_space<vmem_shared>>
        tpu.enqueue_dma source(%arg8 : memref<128x128xf32, #tpu.memory_space<vmem>>) target(%dma_start3A_37 : memref<128x128xf32, #tpu.memory_space<vmem_shared>>) target_semaphore(%run_scoped3A : memref<!tpu.dma_semaphore, #tpu.memory_space<semaphore_mem>>)
        %dma_wait3A = arith.constant 0 : i32
        %dma_wait3A_38 = tpu.memref_slice %arg10[%add3A_34, %dma_wait3A] : memref<10000x128xf32, #tpu.memory_space<vmem_shared>> -> memref<128x128xf32, #tpu.memory_space<vmem_shared>>
        %dma_wait3A_39 = arith.constant 0 : i32
        %dma_wait3A_40 = tpu.memref_slice %arg10[%add3A_34, %dma_wait3A_39] : memref<10000x128xf32, #tpu.memory_space<vmem_shared>> -> memref<128x128xf32, #tpu.memory_space<vmem_shared>>
        tpu.wait_dma2 semaphore(%run_scoped3A : memref<!tpu.dma_semaphore, #tpu.memory_space<semaphore_mem>>) src(%arg8 : memref<128x128xf32, #tpu.memory_space<vmem>>) dst(%dma_wait3A_40 : memref<128x128xf32, #tpu.memory_space<vmem_shared>>)
        tpu.yield
      }) : () -> ()
    }
    %scan3A_11 = arith.constant 4 : i32
    %add3A_12 = arith.constant 512 : i32
    %add3A_13 = arith.addi %mul3A_6, %add3A_12 : i32
    "tpu.region"() ({
      %run_scoped3A = tpu.sem_alloc : memref<!tpu.dma_semaphore, #tpu.memory_space<semaphore_mem>>
      %dma_start3A = arith.constant 0 : i32
      %dma_start3A_27 = arith.constant 0 : i32
      %dma_start3A_28 = tpu.memref_slice %arg8[%dma_start3A, %dma_start3A_27] : memref<128x128xf32, #tpu.memory_space<vmem>> -> memref<112x128xf32, #tpu.memory_space<vmem>>
      %dma_start3A_29 = arith.constant 0 : i32
      %dma_start3A_30 = tpu.memref_slice %arg10[%add3A_13, %dma_start3A_29] : memref<10000x128xf32, #tpu.memory_space<vmem_shared>> -> memref<112x128xf32, #tpu.memory_space<vmem_shared>>
      %dma_start3A_31 = arith.constant 0 : i32
      %dma_start3A_32 = tpu.memref_slice %arg10[%add3A_13, %dma_start3A_31] : memref<10000x128xf32, #tpu.memory_space<vmem_shared>> -> memref<112x128xf32, #tpu.memory_space<vmem_shared>>
      %dma_start3A_33 = arith.constant 0 : i32
      %dma_start3A_34 = arith.constant 0 : i32
      %dma_start3A_35 = tpu.memref_slice %arg8[%dma_start3A_33, %dma_start3A_34] : memref<128x128xf32, #tpu.memory_space<vmem>> -> memref<112x128xf32, #tpu.memory_space<vmem>>
      tpu.enqueue_dma source(%dma_start3A_35 : memref<112x128xf32, #tpu.memory_space<vmem>>) target(%dma_start3A_32 : memref<112x128xf32, #tpu.memory_space<vmem_shared>>) target_semaphore(%run_scoped3A : memref<!tpu.dma_semaphore, #tpu.memory_space<semaphore_mem>>)
      %dma_wait3A = arith.constant 0 : i32
      %dma_wait3A_36 = arith.constant 0 : i32
      %dma_wait3A_37 = tpu.memref_slice %arg8[%dma_wait3A, %dma_wait3A_36] : memref<128x128xf32, #tpu.memory_space<vmem>> -> memref<112x128xf32, #tpu.memory_space<vmem>>
      %dma_wait3A_38 = arith.constant 0 : i32
      %dma_wait3A_39 = tpu.memref_slice %arg10[%add3A_13, %dma_wait3A_38] : memref<10000x128xf32, #tpu.memory_space<vmem_shared>> -> memref<112x128xf32, #tpu.memory_space<vmem_shared>>
      %dma_wait3A_40 = arith.constant 0 : i32
      %dma_wait3A_41 = tpu.memref_slice %arg10[%add3A_13, %dma_wait3A_40] : memref<10000x128xf32, #tpu.memory_space<vmem_shared>> -> memref<112x128xf32, #tpu.memory_space<vmem_shared>>
      %dma_wait3A_42 = arith.constant 0 : i32
      %dma_wait3A_43 = arith.constant 0 : i32
      %dma_wait3A_44 = tpu.memref_slice %arg8[%dma_wait3A_42, %dma_wait3A_43] : memref<128x128xf32, #tpu.memory_space<vmem>> -> memref<112x128xf32, #tpu.memory_space<vmem>>
      tpu.wait_dma2 semaphore(%run_scoped3A : memref<!tpu.dma_semaphore, #tpu.memory_space<semaphore_mem>>) src(%dma_wait3A_44 : memref<112x128xf32, #tpu.memory_space<vmem>>) dst(%dma_wait3A_41 : memref<112x128xf32, #tpu.memory_space<vmem_shared>>)
      tpu.yield
    }) : () -> ()
    %eq3A = arith.constant 15 : i32
    %eq3A_14 = arith.cmpi eq, %arg1, %eq3A : i32
    %convert_element_type3A = arith.extui %eq3A_14 : i1 to i32
    %cond3A = arith.constant 0 : i32
    %cond3A_15 = arith.cmpi ne, %convert_element_type3A, %cond3A : i32
    scf.if %cond3A_15 {
      "tpu.region"() ({
        %run_scoped3A = tpu.sem_alloc : memref<!tpu.dma_semaphore, #tpu.memory_space<semaphore_mem>>
        %dma_start3A = arith.constant 0 : i32
        %dma_start3A_27 = arith.constant 0 : i32
        %dma_start3A_28 = tpu.memref_slice %arg8[%dma_start3A, %dma_start3A_27] : memref<128x128xf32, #tpu.memory_space<vmem>> -> memref<16x128xf32, #tpu.memory_space<vmem>>
        %dma_start3A_29 = arith.constant 9984 : i32
        %dma_start3A_30 = arith.constant 0 : i32
        %dma_start3A_31 = tpu.memref_slice %arg10[%dma_start3A_29, %dma_start3A_30] : memref<10000x128xf32, #tpu.memory_space<vmem_shared>> -> memref<16x128xf32, #tpu.memory_space<vmem_shared>>
        %dma_start3A_32 = arith.constant 9984 : i32
        %dma_start3A_33 = arith.constant 0 : i32
        %dma_start3A_34 = tpu.memref_slice %arg10[%dma_start3A_32, %dma_start3A_33] : memref<10000x128xf32, #tpu.memory_space<vmem_shared>> -> memref<16x128xf32, #tpu.memory_space<vmem_shared>>
        %dma_start3A_35 = arith.constant 0 : i32
        %dma_start3A_36 = arith.constant 0 : i32
        %dma_start3A_37 = tpu.memref_slice %arg8[%dma_start3A_35, %dma_start3A_36] : memref<128x128xf32, #tpu.memory_space<vmem>> -> memref<16x128xf32, #tpu.memory_space<vmem>>
        tpu.enqueue_dma source(%dma_start3A_37 : memref<16x128xf32, #tpu.memory_space<vmem>>) target(%dma_start3A_34 : memref<16x128xf32, #tpu.memory_space<vmem_shared>>) target_semaphore(%run_scoped3A : memref<!tpu.dma_semaphore, #tpu.memory_space<semaphore_mem>>)
        %dma_wait3A = arith.constant 0 : i32
        %dma_wait3A_38 = arith.constant 0 : i32
        %dma_wait3A_39 = tpu.memref_slice %arg8[%dma_wait3A, %dma_wait3A_38] : memref<128x128xf32, #tpu.memory_space<vmem>> -> memref<16x128xf32, #tpu.memory_space<vmem>>
        %dma_wait3A_40 = arith.constant 9984 : i32
        %dma_wait3A_41 = arith.constant 0 : i32
        %dma_wait3A_42 = tpu.memref_slice %arg10[%dma_wait3A_40, %dma_wait3A_41] : memref<10000x128xf32, #tpu.memory_space<vmem_shared>> -> memref<16x128xf32, #tpu.memory_space<vmem_shared>>
        %dma_wait3A_43 = arith.constant 9984 : i32
        %dma_wait3A_44 = arith.constant 0 : i32
        %dma_wait3A_45 = tpu.memref_slice %arg10[%dma_wait3A_43, %dma_wait3A_44] : memref<10000x128xf32, #tpu.memory_space<vmem_shared>> -> memref<16x128xf32, #tpu.memory_space<vmem_shared>>
        %dma_wait3A_46 = arith.constant 0 : i32
        %dma_wait3A_47 = arith.constant 0 : i32
        %dma_wait3A_48 = tpu.memref_slice %arg8[%dma_wait3A_46, %dma_wait3A_47] : memref<128x128xf32, #tpu.memory_space<vmem>> -> memref<16x128xf32, #tpu.memory_space<vmem>>
        tpu.wait_dma2 semaphore(%run_scoped3A : memref<!tpu.dma_semaphore, #tpu.memory_space<semaphore_mem>>) src(%dma_wait3A_48 : memref<16x128xf32, #tpu.memory_space<vmem>>) dst(%dma_wait3A_45 : memref<16x128xf32, #tpu.memory_space<vmem_shared>>)
        tpu.yield
      }) : () -> ()
    } else {
    }
    %barrier3A = arith.constant 0 : index
    tpu.barrier barrier_id(%barrier3A)
    %scan3A_16 = arith.constant 0 : i32
    %scan3A_17 = arith.constant 2 : i32
    %scan3A_18 = arith.addi %scan3A_16, %scan3A_17 : i32
    %scan3A_19 = arith.constant 1 : i32
    scf.for %scan3A_27 = %scan3A_16 to %scan3A_18 step %scan3A_19  : i32 {
      %mul3A_28 = arith.constant 1 : i32
      %mul3A_29 = arith.muli %scan3A_27, %mul3A_28 : i32
      %add3A_30 = arith.constant 0 : i32
      %add3A_31 = arith.addi %add3A_30, %mul3A_29 : i32
      %mul3A_32 = arith.constant 80 : i32
      %mul3A_33 = arith.muli %add3A, %mul3A_32 : i32
      %mul3A_34 = arith.constant 40 : i32
      %mul3A_35 = arith.muli %add3A_31, %mul3A_34 : i32
      %add3A_36 = arith.addi %mul3A_33, %mul3A_35 : i32
      %mul3A_37 = arith.constant 128 : i32
      %mul3A_38 = arith.muli %add3A_36, %mul3A_37 : i32
      "tpu.region"() ({
        %run_scoped3A = tpu.sem_alloc : memref<!tpu.dma_semaphore, #tpu.memory_space<semaphore_mem>>
        %dma_start3A_52 = tpu.memref_slice %arg3[%mul3A_38] : memref<327680xi32, #tpu.memory_space<hbm>> -> memref<5120xi32, #tpu.memory_space<hbm>>
        %dma_start3A_53 = tpu.memref_slice %arg3[%mul3A_38] : memref<327680xi32, #tpu.memory_space<hbm>> -> memref<5120xi32, #tpu.memory_space<hbm>>
        tpu.enqueue_dma source(%dma_start3A_53 : memref<5120xi32, #tpu.memory_space<hbm>>) target(%arg6 : memref<5120xi32, #tpu.memory_space<vmem>>) target_semaphore(%run_scoped3A : memref<!tpu.dma_semaphore, #tpu.memory_space<semaphore_mem>>)
        %dma_wait3A_54 = tpu.memref_slice %arg3[%mul3A_38] : memref<327680xi32, #tpu.memory_space<hbm>> -> memref<5120xi32, #tpu.memory_space<hbm>>
        %dma_wait3A_55 = tpu.memref_slice %arg3[%mul3A_38] : memref<327680xi32, #tpu.memory_space<hbm>> -> memref<5120xi32, #tpu.memory_space<hbm>>
        tpu.wait_dma2 semaphore(%run_scoped3A : memref<!tpu.dma_semaphore, #tpu.memory_space<semaphore_mem>>) src(%dma_wait3A_55 : memref<5120xi32, #tpu.memory_space<hbm>>) dst(%arg6 : memref<5120xi32, #tpu.memory_space<vmem>>)
        tpu.yield
      }) : () -> ()
      "tpu.region"() ({
        %run_scoped3A = tpu.sem_alloc : memref<!tpu.dma_semaphore, #tpu.memory_space<semaphore_mem>>
        %dma_start3A_52 = arith.constant 0 : i32
        %dma_start3A_53 = tpu.memref_slice %arg4[%add3A_36, %dma_start3A_52] : memref<2560x128xi32, #tpu.memory_space<hbm>> -> memref<40x128xi32, #tpu.memory_space<hbm>>
        %dma_start3A_54 = arith.constant 0 : i32
        %dma_start3A_55 = tpu.memref_slice %arg4[%add3A_36, %dma_start3A_54] : memref<2560x128xi32, #tpu.memory_space<hbm>> -> memref<40x128xi32, #tpu.memory_space<hbm>>
        tpu.enqueue_dma source(%dma_start3A_55 : memref<40x128xi32, #tpu.memory_space<hbm>>) target(%arg7 : memref<40x128xi32, #tpu.memory_space<vmem>>) target_semaphore(%run_scoped3A : memref<!tpu.dma_semaphore, #tpu.memory_space<semaphore_mem>>)
        %dma_wait3A_56 = arith.constant 0 : i32
        %dma_wait3A_57 = tpu.memref_slice %arg4[%add3A_36, %dma_wait3A_56] : memref<2560x128xi32, #tpu.memory_space<hbm>> -> memref<40x128xi32, #tpu.memory_space<hbm>>
        %dma_wait3A_58 = arith.constant 0 : i32
        %dma_wait3A_59 = tpu.memref_slice %arg4[%add3A_36, %dma_wait3A_58] : memref<2560x128xi32, #tpu.memory_space<hbm>> -> memref<40x128xi32, #tpu.memory_space<hbm>>
        tpu.wait_dma2 semaphore(%run_scoped3A : memref<!tpu.dma_semaphore, #tpu.memory_space<semaphore_mem>>) src(%dma_wait3A_59 : memref<40x128xi32, #tpu.memory_space<hbm>>) dst(%arg7 : memref<40x128xi32, #tpu.memory_space<vmem>>)
        tpu.yield
      }) : () -> ()
      %dma_start3A = arith.constant 0 : i32
      %dma_start3A_39 = tpu.memref_slice %arg6[%dma_start3A] : memref<5120xi32, #tpu.memory_space<vmem>> -> memref<128xi32, #tpu.memory_space<vmem>>
      %dma_start3A_40 = arith.constant 0 : i32
      %dma_start3A_41 = arith.constant 0 : i32
      %dma_start3A_42 = tpu.memref_slice %arg2[%dma_start3A_40, %dma_start3A_41] : memref<10008x128xf32, #tpu.memory_space<hbm>> -> memref<10008x128xf32, #tpu.memory_space<hbm>>
      tpu.enqueue_indirect_dma source(%dma_start3A_42 : memref<10008x128xf32, #tpu.memory_space<hbm>>) target(%arg8 : memref<128x128xf32, #tpu.memory_space<vmem>>) offsets(%dma_start3A_39 : memref<128xi32, #tpu.memory_space<vmem>>) semaphore(%arg11 : memref<!tpu.dma_semaphore, #tpu.memory_space<semaphore_mem>>)
      %scan3A_43 = arith.constant 0 : i32
      %scan3A_44 = arith.constant 20 : i32
      %scan3A_45 = arith.addi %scan3A_43, %scan3A_44 : i32
      %scan3A_46 = arith.constant 1 : i32
      scf.for %scan3A_52 = %scan3A_43 to %scan3A_45 step %scan3A_46  : i32 {
        %mul3A_53 = arith.constant 1 : i32
        %mul3A_54 = arith.muli %scan3A_52, %mul3A_53 : i32
        %add3A_55 = arith.constant 0 : i32
        %add3A_56 = arith.addi %add3A_55, %mul3A_54 : i32
        %mul3A_57 = arith.constant 2 : i32
        %mul3A_58 = arith.muli %mul3A_57, %add3A_56 : i32
        %add3A_59 = arith.constant 1 : i32
        %add3A_60 = arith.addi %mul3A_58, %add3A_59 : i32
        %mul3A_61 = arith.constant 128 : i32
        %mul3A_62 = arith.muli %add3A_60, %mul3A_61 : i32
        %dma_start3A_63 = tpu.memref_slice %arg6[%mul3A_62] : memref<5120xi32, #tpu.memory_space<vmem>> -> memref<128xi32, #tpu.memory_space<vmem>>
        %dma_start3A_64 = arith.constant 0 : i32
        %dma_start3A_65 = arith.constant 0 : i32
        %dma_start3A_66 = tpu.memref_slice %arg2[%dma_start3A_64, %dma_start3A_65] : memref<10008x128xf32, #tpu.memory_space<hbm>> -> memref<10008x128xf32, #tpu.memory_space<hbm>>
        tpu.enqueue_indirect_dma source(%dma_start3A_66 : memref<10008x128xf32, #tpu.memory_space<hbm>>) target(%arg9 : memref<128x128xf32, #tpu.memory_space<vmem>>) offsets(%dma_start3A_63 : memref<128xi32, #tpu.memory_space<vmem>>) semaphore(%arg12 : memref<!tpu.dma_semaphore, #tpu.memory_space<semaphore_mem>>)
        %dma_wait3A_67 = arith.constant 0 : i32
        %dma_wait3A_68 = tpu.memref_slice %arg6[%dma_wait3A_67] : memref<5120xi32, #tpu.memory_space<vmem>> -> memref<128xi32, #tpu.memory_space<vmem>>
        %dma_wait3A_69 = arith.constant 0 : i32
        %dma_wait3A_70 = arith.constant 0 : i32
        %dma_wait3A_71 = tpu.memref_slice %arg2[%dma_wait3A_69, %dma_wait3A_70] : memref<10008x128xf32, #tpu.memory_space<hbm>> -> memref<10008x128xf32, #tpu.memory_space<hbm>>
        tpu.wait_indirect_dma semaphore(%arg11 : memref<!tpu.dma_semaphore, #tpu.memory_space<semaphore_mem>>) src(%dma_wait3A_71 : memref<10008x128xf32, #tpu.memory_space<hbm>>) dst(%arg8 : memref<128x128xf32, #tpu.memory_space<vmem>>)
        "tpu.region"() ({
          %run_scoped3A = tpu.sem_alloc : memref<!tpu.dma_semaphore, #tpu.memory_space<semaphore_mem>>
          %dma_start3A_88 = arith.constant 0 : i32
          %dma_start3A_89 = tpu.memref_slice %arg7[%mul3A_58, %dma_start3A_88] : memref<40x128xi32, #tpu.memory_space<vmem>> -> memref<1x128xi32, #tpu.memory_space<vmem>>
          %dma_start3A_90 = tpu.memref_squeeze %dma_start3A_89 : memref<1x128xi32, #tpu.memory_space<vmem>> -> memref<128xi32, #tpu.memory_space<vmem>>
          %dma_start3A_91 = arith.constant 0 : i32
          %dma_start3A_92 = arith.constant 0 : i32
          %dma_start3A_93 = tpu.memref_slice %arg10[%dma_start3A_91, %dma_start3A_92] : memref<10000x128xf32, #tpu.memory_space<vmem_shared>> -> memref<10000x128xf32, #tpu.memory_space<vmem_shared>>
          tpu.enqueue_indirect_dma source(%arg8 : memref<128x128xf32, #tpu.memory_space<vmem>>) target(%dma_start3A_93 : memref<10000x128xf32, #tpu.memory_space<vmem_shared>>) offsets(%dma_start3A_90 : memref<128xi32, #tpu.memory_space<vmem>>) semaphore(%run_scoped3A : memref<!tpu.dma_semaphore, #tpu.memory_space<semaphore_mem>>) {add = true}
          %dma_wait3A_94 = arith.constant 0 : i32
          %dma_wait3A_95 = tpu.memref_slice %arg7[%mul3A_58, %dma_wait3A_94] : memref<40x128xi32, #tpu.memory_space<vmem>> -> memref<1x128xi32, #tpu.memory_space<vmem>>
          %dma_wait3A_96 = tpu.memref_squeeze %dma_wait3A_95 : memref<1x128xi32, #tpu.memory_space<vmem>> -> memref<128xi32, #tpu.memory_space<vmem>>
          %dma_wait3A_97 = arith.constant 0 : i32
          %dma_wait3A_98 = arith.constant 0 : i32
          %dma_wait3A_99 = tpu.memref_slice %arg10[%dma_wait3A_97, %dma_wait3A_98] : memref<10000x128xf32, #tpu.memory_space<vmem_shared>> -> memref<10000x128xf32, #tpu.memory_space<vmem_shared>>
          tpu.wait_indirect_dma semaphore(%run_scoped3A : memref<!tpu.dma_semaphore, #tpu.memory_space<semaphore_mem>>) src(%arg8 : memref<128x128xf32, #tpu.memory_space<vmem>>) dst(%dma_wait3A_99 : memref<10000x128xf32, #tpu.memory_space<vmem_shared>>)
          tpu.yield
        }) : () -> ()
        %add3A_72 = arith.constant 2 : i32
        %add3A_73 = arith.addi %mul3A_58, %add3A_72 : i32
        %min3A = arith.constant 39 : i32
        %min3A_74 = arith.minsi %add3A_73, %min3A : i32
        %mul3A_75 = arith.constant 128 : i32
        %mul3A_76 = arith.muli %min3A_74, %mul3A_75 : i32
        %dma_start3A_77 = tpu.memref_slice %arg6[%mul3A_76] : memref<5120xi32, #tpu.memory_space<vmem>> -> memref<128xi32, #tpu.memory_space<vmem>>
        %dma_start3A_78 = arith.constant 0 : i32
        %dma_start3A_79 = arith.constant 0 : i32
        %dma_start3A_80 = tpu.memref_slice %arg2[%dma_start3A_78, %dma_start3A_79] : memref<10008x128xf32, #tpu.memory_space<hbm>> -> memref<10008x128xf32, #tpu.memory_space<hbm>>
        tpu.enqueue_indirect_dma source(%dma_start3A_80 : memref<10008x128xf32, #tpu.memory_space<hbm>>) target(%arg8 : memref<128x128xf32, #tpu.memory_space<vmem>>) offsets(%dma_start3A_77 : memref<128xi32, #tpu.memory_space<vmem>>) semaphore(%arg11 : memref<!tpu.dma_semaphore, #tpu.memory_space<semaphore_mem>>)
        %dma_wait3A_81 = arith.constant 0 : i32
        %dma_wait3A_82 = tpu.memref_slice %arg6[%dma_wait3A_81] : memref<5120xi32, #tpu.memory_space<vmem>> -> memref<128xi32, #tpu.memory_space<vmem>>
        %dma_wait3A_83 = arith.constant 0 : i32
        %dma_wait3A_84 = arith.constant 0 : i32
        %dma_wait3A_85 = tpu.memref_slice %arg2[%dma_wait3A_83, %dma_wait3A_84] : memref<10008x128xf32, #tpu.memory_space<hbm>> -> memref<10008x128xf32, #tpu.memory_space<hbm>>
        tpu.wait_indirect_dma semaphore(%arg12 : memref<!tpu.dma_semaphore, #tpu.memory_space<semaphore_mem>>) src(%dma_wait3A_85 : memref<10008x128xf32, #tpu.memory_space<hbm>>) dst(%arg9 : memref<128x128xf32, #tpu.memory_space<vmem>>)
        %add3A_86 = arith.constant 1 : i32
        %add3A_87 = arith.addi %mul3A_58, %add3A_86 : i32
        "tpu.region"() ({
          %run_scoped3A = tpu.sem_alloc : memref<!tpu.dma_semaphore, #tpu.memory_space<semaphore_mem>>
          %dma_start3A_88 = arith.constant 0 : i32
          %dma_start3A_89 = tpu.memref_slice %arg7[%add3A_87, %dma_start3A_88] : memref<40x128xi32, #tpu.memory_space<vmem>> -> memref<1x128xi32, #tpu.memory_space<vmem>>
          %dma_start3A_90 = tpu.memref_squeeze %dma_start3A_89 : memref<1x128xi32, #tpu.memory_space<vmem>> -> memref<128xi32, #tpu.memory_space<vmem>>
          %dma_start3A_91 = arith.constant 0 : i32
          %dma_start3A_92 = arith.constant 0 : i32
          %dma_start3A_93 = tpu.memref_slice %arg10[%dma_start3A_91, %dma_start3A_92] : memref<10000x128xf32, #tpu.memory_space<vmem_shared>> -> memref<10000x128xf32, #tpu.memory_space<vmem_shared>>
          tpu.enqueue_indirect_dma source(%arg9 : memref<128x128xf32, #tpu.memory_space<vmem>>) target(%dma_start3A_93 : memref<10000x128xf32, #tpu.memory_space<vmem_shared>>) offsets(%dma_start3A_90 : memref<128xi32, #tpu.memory_space<vmem>>) semaphore(%run_scoped3A : memref<!tpu.dma_semaphore, #tpu.memory_space<semaphore_mem>>) {add = true}
          %dma_wait3A_94 = arith.constant 0 : i32
          %dma_wait3A_95 = tpu.memref_slice %arg7[%add3A_87, %dma_wait3A_94] : memref<40x128xi32, #tpu.memory_space<vmem>> -> memref<1x128xi32, #tpu.memory_space<vmem>>
          %dma_wait3A_96 = tpu.memref_squeeze %dma_wait3A_95 : memref<1x128xi32, #tpu.memory_space<vmem>> -> memref<128xi32, #tpu.memory_space<vmem>>
          %dma_wait3A_97 = arith.constant 0 : i32
          %dma_wait3A_98 = arith.constant 0 : i32
          %dma_wait3A_99 = tpu.memref_slice %arg10[%dma_wait3A_97, %dma_wait3A_98] : memref<10000x128xf32, #tpu.memory_space<vmem_shared>> -> memref<10000x128xf32, #tpu.memory_space<vmem_shared>>
          tpu.wait_indirect_dma semaphore(%run_scoped3A : memref<!tpu.dma_semaphore, #tpu.memory_space<semaphore_mem>>) src(%arg9 : memref<128x128xf32, #tpu.memory_space<vmem>>) dst(%dma_wait3A_99 : memref<10000x128xf32, #tpu.memory_space<vmem_shared>>)
          tpu.yield
        }) : () -> ()
      }
      %scan3A_47 = arith.constant 20 : i32
      %dma_wait3A = arith.constant 0 : i32
      %dma_wait3A_48 = tpu.memref_slice %arg6[%dma_wait3A] : memref<5120xi32, #tpu.memory_space<vmem>> -> memref<128xi32, #tpu.memory_space<vmem>>
      %dma_wait3A_49 = arith.constant 0 : i32
      %dma_wait3A_50 = arith.constant 0 : i32
      %dma_wait3A_51 = tpu.memref_slice %arg2[%dma_wait3A_49, %dma_wait3A_50] : memref<10008x128xf32, #tpu.memory_space<hbm>> -> memref<10008x128xf32, #tpu.memory_space<hbm>>
      tpu.wait_indirect_dma semaphore(%arg11 : memref<!tpu.dma_semaphore, #tpu.memory_space<semaphore_mem>>) src(%dma_wait3A_51 : memref<10008x128xf32, #tpu.memory_space<hbm>>) dst(%arg8 : memref<128x128xf32, #tpu.memory_space<vmem>>)
    }
    %scan3A_20 = arith.constant 2 : i32
    %barrier3A_21 = arith.constant 0 : index
    tpu.barrier barrier_id(%barrier3A_21)
    "tpu.region"() ({
      %run_scoped3A = tpu.sem_alloc : memref<!tpu.dma_semaphore, #tpu.memory_space<semaphore_mem>>
      %dma_start3A = arith.constant 0 : i32
      %dma_start3A_27 = arith.constant 0 : i32
      %dma_start3A_28 = tpu.memref_slice %arg5[%arg0, %dma_start3A, %dma_start3A_27] : memref<2x10000x128xf32, #tpu.memory_space<hbm>> -> memref<1x10000x128xf32, #tpu.memory_space<hbm>>
      %dma_start3A_29 = tpu.memref_squeeze %dma_start3A_28 : memref<1x10000x128xf32, #tpu.memory_space<hbm>> -> memref<10000x128xf32, #tpu.memory_space<hbm>>
      %dma_start3A_30 = arith.constant 0 : i32
      %dma_start3A_31 = tpu.memref_slice %dma_start3A_29[%mul3A_6, %dma_start3A_30] : memref<10000x128xf32, #tpu.memory_space<hbm>> -> memref<624x128xf32, #tpu.memory_space<hbm>>
      %dma_start3A_32 = arith.constant 0 : i32
      %dma_start3A_33 = tpu.memref_slice %arg10[%mul3A_6, %dma_start3A_32] : memref<10000x128xf32, #tpu.memory_space<vmem_shared>> -> memref<624x128xf32, #tpu.memory_space<vmem_shared>>
      tpu.enqueue_dma source(%dma_start3A_33 : memref<624x128xf32, #tpu.memory_space<vmem_shared>>) target(%dma_start3A_31 : memref<624x128xf32, #tpu.memory_space<hbm>>) target_semaphore(%run_scoped3A : memref<!tpu.dma_semaphore, #tpu.memory_space<semaphore_mem>>)
      %dma_wait3A = arith.constant 0 : i32
      %dma_wait3A_34 = arith.constant 0 : i32
      %dma_wait3A_35 = tpu.memref_slice %arg5[%arg0, %dma_wait3A, %dma_wait3A_34] : memref<2x10000x128xf32, #tpu.memory_space<hbm>> -> memref<1x10000x128xf32, #tpu.memory_space<hbm>>
      %dma_wait3A_36 = tpu.memref_squeeze %dma_wait3A_35 : memref<1x10000x128xf32, #tpu.memory_space<hbm>> -> memref<10000x128xf32, #tpu.memory_space<hbm>>
      %dma_wait3A_37 = arith.constant 0 : i32
      %dma_wait3A_38 = tpu.memref_slice %dma_wait3A_36[%mul3A_6, %dma_wait3A_37] : memref<10000x128xf32, #tpu.memory_space<hbm>> -> memref<624x128xf32, #tpu.memory_space<hbm>>
      %dma_wait3A_39 = arith.constant 0 : i32
      %dma_wait3A_40 = tpu.memref_slice %arg10[%mul3A_6, %dma_wait3A_39] : memref<10000x128xf32, #tpu.memory_space<vmem_shared>> -> memref<624x128xf32, #tpu.memory_space<vmem_shared>>
      tpu.wait_dma2 semaphore(%run_scoped3A : memref<!tpu.dma_semaphore, #tpu.memory_space<semaphore_mem>>) src(%dma_wait3A_40 : memref<624x128xf32, #tpu.memory_space<vmem_shared>>) dst(%dma_wait3A_38 : memref<624x128xf32, #tpu.memory_space<hbm>>)
      tpu.yield
    }) : () -> ()
    %eq3A_22 = arith.constant 15 : i32
    %eq3A_23 = arith.cmpi eq, %arg1, %eq3A_22 : i32
    %convert_element_type3A_24 = arith.extui %eq3A_23 : i1 to i32
    %cond3A_25 = arith.constant 0 : i32
    %cond3A_26 = arith.cmpi ne, %convert_element_type3A_24, %cond3A_25 : i32
    scf.if %cond3A_26 {
      "tpu.region"() ({
        %run_scoped3A = tpu.sem_alloc : memref<!tpu.dma_semaphore, #tpu.memory_space<semaphore_mem>>
        %dma_start3A = arith.constant 0 : i32
        %dma_start3A_27 = arith.constant 0 : i32
        %dma_start3A_28 = tpu.memref_slice %arg5[%arg0, %dma_start3A, %dma_start3A_27] : memref<2x10000x128xf32, #tpu.memory_space<hbm>> -> memref<1x10000x128xf32, #tpu.memory_space<hbm>>
        %dma_start3A_29 = tpu.memref_squeeze %dma_start3A_28 : memref<1x10000x128xf32, #tpu.memory_space<hbm>> -> memref<10000x128xf32, #tpu.memory_space<hbm>>
        %dma_start3A_30 = arith.constant 9984 : i32
        %dma_start3A_31 = arith.constant 0 : i32
        %dma_start3A_32 = tpu.memref_slice %dma_start3A_29[%dma_start3A_30, %dma_start3A_31] : memref<10000x128xf32, #tpu.memory_space<hbm>> -> memref<16x128xf32, #tpu.memory_space<hbm>>
        %dma_start3A_33 = arith.constant 9984 : i32
        %dma_start3A_34 = arith.constant 0 : i32
        %dma_start3A_35 = tpu.memref_slice %arg10[%dma_start3A_33, %dma_start3A_34] : memref<10000x128xf32, #tpu.memory_space<vmem_shared>> -> memref<16x128xf32, #tpu.memory_space<vmem_shared>>
        tpu.enqueue_dma source(%dma_start3A_35 : memref<16x128xf32, #tpu.memory_space<vmem_shared>>) target(%dma_start3A_32 : memref<16x128xf32, #tpu.memory_space<hbm>>) target_semaphore(%run_scoped3A : memref<!tpu.dma_semaphore, #tpu.memory_space<semaphore_mem>>)
        %dma_wait3A = arith.constant 0 : i32
        %dma_wait3A_36 = arith.constant 0 : i32
        %dma_wait3A_37 = tpu.memref_slice %arg5[%arg0, %dma_wait3A, %dma_wait3A_36] : memref<2x10000x128xf32, #tpu.memory_space<hbm>> -> memref<1x10000x128xf32, #tpu.memory_space<hbm>>
        %dma_wait3A_38 = tpu.memref_squeeze %dma_wait3A_37 : memref<1x10000x128xf32, #tpu.memory_space<hbm>> -> memref<10000x128xf32, #tpu.memory_space<hbm>>
        %dma_wait3A_39 = arith.constant 9984 : i32
        %dma_wait3A_40 = arith.constant 0 : i32
        %dma_wait3A_41 = tpu.memref_slice %dma_wait3A_38[%dma_wait3A_39, %dma_wait3A_40] : memref<10000x128xf32, #tpu.memory_space<hbm>> -> memref<16x128xf32, #tpu.memory_space<hbm>>
        %dma_wait3A_42 = arith.constant 9984 : i32
        %dma_wait3A_43 = arith.constant 0 : i32
        %dma_wait3A_44 = tpu.memref_slice %arg10[%dma_wait3A_42, %dma_wait3A_43] : memref<10000x128xf32, #tpu.memory_space<vmem_shared>> -> memref<16x128xf32, #tpu.memory_space<vmem_shared>>
        tpu.wait_dma2 semaphore(%run_scoped3A : memref<!tpu.dma_semaphore, #tpu.memory_space<semaphore_mem>>) src(%dma_wait3A_44 : memref<16x128xf32, #tpu.memory_space<vmem_shared>>) dst(%dma_wait3A_41 : memref<16x128xf32, #tpu.memory_space<hbm>>)
        tpu.yield
      }) : () -> ()
    } else {
    }
    return
  }
}

#map = affine_map<(d0, d1) -> (0)>
#map1 = affine_map<(d0, d1) -> (0, 0, 0)>
module attributes {stable_mosaic.version = 14 : i64} {
  func.func @deg_kernel(%arg0: i32, %arg1: i32, %arg2: memref<320000xi32, #tpu.memory_space<hbm>>, %arg3: memref<320000xi32, #tpu.memory_space<hbm>>, %arg4: memref<2x16x10000xf32, #tpu.memory_space<hbm>>, %arg5: memref<2x16x10000xf32, #tpu.memory_space<hbm>>, %arg6: memref<2000xi32, #tpu.memory_space<vmem>>, %arg7: memref<2000xi32, #tpu.memory_space<vmem>>, %arg8: memref<10000xf32, #tpu.memory_space<vmem>>, %arg9: memref<10000xf32, #tpu.memory_space<vmem>>) attributes {dimension_semantics = [#tpu.dimension_semantics<core_parallel>, #tpu.dimension_semantics<subcore_parallel>], iteration_bounds = array<i64: 2, 16>, scalar_prefetch = 0 : i64, scratch_operands = 4 : i64, tpu.core_type = #tpu.core_type<sc_vector_subcore>, window_params = [{transform_indices = #map}, {transform_indices = #map}, {transform_indices = #map1}, {transform_indices = #map1}]} {
    %mul3A = arith.constant 2 : i32
    %mul3A_0 = arith.muli %arg1, %mul3A : i32
    %add3A = arith.addi %mul3A_0, %arg0 : i32
    %scan3A = arith.constant 0 : i32
    %scan3A_1 = arith.constant 625 : i32
    %scan3A_2 = arith.addi %scan3A, %scan3A_1 : i32
    %scan3A_3 = arith.constant 1 : i32
    scf.for %scan3A_13 = %scan3A to %scan3A_2 step %scan3A_3  : i32 {
      %mul3A_14 = arith.constant 16 : i32
      %mul3A_15 = arith.muli %scan3A_13, %mul3A_14 : i32
      %add3A_16 = arith.constant 0 : i32
      %add3A_17 = arith.addi %add3A_16, %mul3A_15 : i32
      %broadcast_in_dim3A_18 = arith.constant 0.000000e+00 : f32
      %broadcast_in_dim3A_19 = vector.broadcast %broadcast_in_dim3A_18 : f32 to vector<16xf32>
      %swap3A = arith.index_cast %add3A_17 : i32 to index
      %swap3A_20 = tpu.vector_load %arg8[%swap3A] {strides = array<i32>} : memref<10000xf32, #tpu.memory_space<vmem>>, vector<16xf32>,
      tpu.vector_store %arg8[%swap3A], %broadcast_in_dim3A_19 {strides = array<i32>} : memref<10000xf32, #tpu.memory_space<vmem>>, vector<16xf32>,
      %broadcast_in_dim3A_21 = arith.constant 0.000000e+00 : f32
      %broadcast_in_dim3A_22 = vector.broadcast %broadcast_in_dim3A_21 : f32 to vector<16xf32>
      %swap3A_23 = arith.index_cast %add3A_17 : i32 to index
      %swap3A_24 = tpu.vector_load %arg9[%swap3A_23] {strides = array<i32>} : memref<10000xf32, #tpu.memory_space<vmem>>, vector<16xf32>,
      tpu.vector_store %arg9[%swap3A_23], %broadcast_in_dim3A_22 {strides = array<i32>} : memref<10000xf32, #tpu.memory_space<vmem>>, vector<16xf32>,
    }
    %scan3A_4 = arith.constant 625 : i32
    %mul3A_5 = arith.constant 10000 : i32
    %mul3A_6 = arith.muli %add3A, %mul3A_5 : i32
    %broadcast_in_dim3A = arith.constant 1.000000e+00 : f32
    %broadcast_in_dim3A_7 = vector.broadcast %broadcast_in_dim3A : f32 to vector<16xf32>
    %scan3A_8 = arith.constant 0 : i32
    %scan3A_9 = arith.constant 5 : i32
    %scan3A_10 = arith.addi %scan3A_8, %scan3A_9 : i32
    %scan3A_11 = arith.constant 1 : i32
    scf.for %scan3A_13 = %scan3A_8 to %scan3A_10 step %scan3A_11  : i32 {
      %mul3A_14 = arith.constant 1 : i32
      %mul3A_15 = arith.muli %scan3A_13, %mul3A_14 : i32
      %add3A_16 = arith.constant 0 : i32
      %add3A_17 = arith.addi %add3A_16, %mul3A_15 : i32
      %mul3A_18 = arith.constant 2000 : i32
      %mul3A_19 = arith.muli %add3A_17, %mul3A_18 : i32
      %add3A_20 = arith.addi %mul3A_6, %mul3A_19 : i32
      "tpu.region"() ({
        %run_scoped3A = tpu.sem_alloc : memref<!tpu.dma_semaphore, #tpu.memory_space<semaphore_mem>>
        %dma_start3A = tpu.memref_slice %arg2[%add3A_20] : memref<320000xi32, #tpu.memory_space<hbm>> -> memref<2000xi32, #tpu.memory_space<hbm>>
        %dma_start3A_26 = tpu.memref_slice %arg2[%add3A_20] : memref<320000xi32, #tpu.memory_space<hbm>> -> memref<2000xi32, #tpu.memory_space<hbm>>
        tpu.enqueue_dma source(%dma_start3A_26 : memref<2000xi32, #tpu.memory_space<hbm>>) target(%arg6 : memref<2000xi32, #tpu.memory_space<vmem>>) target_semaphore(%run_scoped3A : memref<!tpu.dma_semaphore, #tpu.memory_space<semaphore_mem>>)
        %dma_wait3A = tpu.memref_slice %arg2[%add3A_20] : memref<320000xi32, #tpu.memory_space<hbm>> -> memref<2000xi32, #tpu.memory_space<hbm>>
        %dma_wait3A_27 = tpu.memref_slice %arg2[%add3A_20] : memref<320000xi32, #tpu.memory_space<hbm>> -> memref<2000xi32, #tpu.memory_space<hbm>>
        tpu.wait_dma2 semaphore(%run_scoped3A : memref<!tpu.dma_semaphore, #tpu.memory_space<semaphore_mem>>) src(%dma_wait3A_27 : memref<2000xi32, #tpu.memory_space<hbm>>) dst(%arg6 : memref<2000xi32, #tpu.memory_space<vmem>>)
        tpu.yield
      }) : () -> ()
      "tpu.region"() ({
        %run_scoped3A = tpu.sem_alloc : memref<!tpu.dma_semaphore, #tpu.memory_space<semaphore_mem>>
        %dma_start3A = tpu.memref_slice %arg3[%add3A_20] : memref<320000xi32, #tpu.memory_space<hbm>> -> memref<2000xi32, #tpu.memory_space<hbm>>
        %dma_start3A_26 = tpu.memref_slice %arg3[%add3A_20] : memref<320000xi32, #tpu.memory_space<hbm>> -> memref<2000xi32, #tpu.memory_space<hbm>>
        tpu.enqueue_dma source(%dma_start3A_26 : memref<2000xi32, #tpu.memory_space<hbm>>) target(%arg7 : memref<2000xi32, #tpu.memory_space<vmem>>) target_semaphore(%run_scoped3A : memref<!tpu.dma_semaphore, #tpu.memory_space<semaphore_mem>>)
        %dma_wait3A = tpu.memref_slice %arg3[%add3A_20] : memref<320000xi32, #tpu.memory_space<hbm>> -> memref<2000xi32, #tpu.memory_space<hbm>>
        %dma_wait3A_27 = tpu.memref_slice %arg3[%add3A_20] : memref<320000xi32, #tpu.memory_space<hbm>> -> memref<2000xi32, #tpu.memory_space<hbm>>
        tpu.wait_dma2 semaphore(%run_scoped3A : memref<!tpu.dma_semaphore, #tpu.memory_space<semaphore_mem>>) src(%dma_wait3A_27 : memref<2000xi32, #tpu.memory_space<hbm>>) dst(%arg7 : memref<2000xi32, #tpu.memory_space<vmem>>)
        tpu.yield
      }) : () -> ()
      %scan3A_21 = arith.constant 0 : i32
      %scan3A_22 = arith.constant 125 : i32
      %scan3A_23 = arith.addi %scan3A_21, %scan3A_22 : i32
      %scan3A_24 = arith.constant 1 : i32
      scf.for %scan3A_26 = %scan3A_21 to %scan3A_23 step %scan3A_24  : i32 {
        %mul3A_27 = arith.constant 16 : i32
        %mul3A_28 = arith.muli %scan3A_26, %mul3A_27 : i32
        %add3A_29 = arith.constant 0 : i32
        %add3A_30 = arith.addi %add3A_29, %mul3A_28 : i32
        %get3A = arith.index_cast %add3A_30 : i32 to index
        %get3A_31 = tpu.vector_load %arg6[%get3A] {strides = array<i32>} : memref<2000xi32, #tpu.memory_space<vmem>>, vector<16xi32>,
        tpu.vector_store_idx %arg8[%get3A_31], %broadcast_in_dim3A_7 {add = true} : memref<10000xf32, #tpu.memory_space<vmem>>[vector<16xi32>], vector<16xf32>,
        %get3A_32 = arith.index_cast %add3A_30 : i32 to index
        %get3A_33 = tpu.vector_load %arg7[%get3A_32] {strides = array<i32>} : memref<2000xi32, #tpu.memory_space<vmem>>, vector<16xi32>,
        tpu.vector_store_idx %arg9[%get3A_33], %broadcast_in_dim3A_7 {add = true} : memref<10000xf32, #tpu.memory_space<vmem>>[vector<16xi32>], vector<16xf32>,
      }
      %scan3A_25 = arith.constant 125 : i32
    }
    %scan3A_12 = arith.constant 5 : i32
    "tpu.region"() ({
      %run_scoped3A = tpu.sem_alloc : memref<!tpu.dma_semaphore, #tpu.memory_space<semaphore_mem>>
      %dma_start3A = arith.constant 0 : i32
      %dma_start3A_13 = arith.constant 0 : i32
      %dma_start3A_14 = tpu.memref_slice %arg4[%arg0, %dma_start3A, %dma_start3A_13] : memref<2x16x10000xf32, #tpu.memory_space<hbm>> -> memref<1x16x10000xf32, #tpu.memory_space<hbm>>
      %dma_start3A_15 = tpu.memref_squeeze %dma_start3A_14 : memref<1x16x10000xf32, #tpu.memory_space<hbm>> -> memref<16x10000xf32, #tpu.memory_space<hbm>>
      %dma_start3A_16 = arith.constant 0 : i32
      %dma_start3A_17 = tpu.memref_slice %dma_start3A_15[%arg1, %dma_start3A_16] : memref<16x10000xf32, #tpu.memory_space<hbm>> -> memref<1x10000xf32, #tpu.memory_space<hbm>>
      %dma_start3A_18 = tpu.memref_squeeze %dma_start3A_17 : memref<1x10000xf32, #tpu.memory_space<hbm>> -> memref<10000xf32, #tpu.memory_space<hbm>>
      %dma_start3A_19 = arith.constant 0 : i32
      %dma_start3A_20 = arith.constant 0 : i32
      %dma_start3A_21 = tpu.memref_slice %arg4[%arg0, %dma_start3A_19, %dma_start3A_20] : memref<2x16x10000xf32, #tpu.memory_space<hbm>> -> memref<1x16x10000xf32, #tpu.memory_space<hbm>>
      %dma_start3A_22 = tpu.memref_squeeze %dma_start3A_21 : memref<1x16x10000xf32, #tpu.memory_space<hbm>> -> memref<16x10000xf32, #tpu.memory_space<hbm>>
      %dma_start3A_23 = arith.constant 0 : i32
      %dma_start3A_24 = tpu.memref_slice %dma_start3A_22[%arg1, %dma_start3A_23] : memref<16x10000xf32, #tpu.memory_space<hbm>> -> memref<1x10000xf32, #tpu.memory_space<hbm>>
      %dma_start3A_25 = tpu.memref_squeeze %dma_start3A_24 : memref<1x10000xf32, #tpu.memory_space<hbm>> -> memref<10000xf32, #tpu.memory_space<hbm>>
      tpu.enqueue_dma source(%arg8 : memref<10000xf32, #tpu.memory_space<vmem>>) target(%dma_start3A_25 : memref<10000xf32, #tpu.memory_space<hbm>>) target_semaphore(%run_scoped3A : memref<!tpu.dma_semaphore, #tpu.memory_space<semaphore_mem>>)
      %dma_wait3A = arith.constant 0 : i32
      %dma_wait3A_26 = arith.constant 0 : i32
      %dma_wait3A_27 = tpu.memref_slice %arg4[%arg0, %dma_wait3A, %dma_wait3A_26] : memref<2x16x10000xf32, #tpu.memory_space<hbm>> -> memref<1x16x10000xf32, #tpu.memory_space<hbm>>
      %dma_wait3A_28 = tpu.memref_squeeze %dma_wait3A_27 : memref<1x16x10000xf32, #tpu.memory_space<hbm>> -> memref<16x10000xf32, #tpu.memory_space<hbm>>
      %dma_wait3A_29 = arith.constant 0 : i32
      %dma_wait3A_30 = tpu.memref_slice %dma_wait3A_28[%arg1, %dma_wait3A_29] : memref<16x10000xf32, #tpu.memory_space<hbm>> -> memref<1x10000xf32, #tpu.memory_space<hbm>>
      %dma_wait3A_31 = tpu.memref_squeeze %dma_wait3A_30 : memref<1x10000xf32, #tpu.memory_space<hbm>> -> memref<10000xf32, #tpu.memory_space<hbm>>
      %dma_wait3A_32 = arith.constant 0 : i32
      %dma_wait3A_33 = arith.constant 0 : i32
      %dma_wait3A_34 = tpu.memref_slice %arg4[%arg0, %dma_wait3A_32, %dma_wait3A_33] : memref<2x16x10000xf32, #tpu.memory_space<hbm>> -> memref<1x16x10000xf32, #tpu.memory_space<hbm>>
      %dma_wait3A_35 = tpu.memref_squeeze %dma_wait3A_34 : memref<1x16x10000xf32, #tpu.memory_space<hbm>> -> memref<16x10000xf32, #tpu.memory_space<hbm>>
      %dma_wait3A_36 = arith.constant 0 : i32
      %dma_wait3A_37 = tpu.memref_slice %dma_wait3A_35[%arg1, %dma_wait3A_36] : memref<16x10000xf32, #tpu.memory_space<hbm>> -> memref<1x10000xf32, #tpu.memory_space<hbm>>
      %dma_wait3A_38 = tpu.memref_squeeze %dma_wait3A_37 : memref<1x10000xf32, #tpu.memory_space<hbm>> -> memref<10000xf32, #tpu.memory_space<hbm>>
      tpu.wait_dma2 semaphore(%run_scoped3A : memref<!tpu.dma_semaphore, #tpu.memory_space<semaphore_mem>>) src(%arg8 : memref<10000xf32, #tpu.memory_space<vmem>>) dst(%dma_wait3A_38 : memref<10000xf32, #tpu.memory_space<hbm>>)
      tpu.yield
    }) : () -> ()
    "tpu.region"() ({
      %run_scoped3A = tpu.sem_alloc : memref<!tpu.dma_semaphore, #tpu.memory_space<semaphore_mem>>
      %dma_start3A = arith.constant 0 : i32
      %dma_start3A_13 = arith.constant 0 : i32
      %dma_start3A_14 = tpu.memref_slice %arg5[%arg0, %dma_start3A, %dma_start3A_13] : memref<2x16x10000xf32, #tpu.memory_space<hbm>> -> memref<1x16x10000xf32, #tpu.memory_space<hbm>>
      %dma_start3A_15 = tpu.memref_squeeze %dma_start3A_14 : memref<1x16x10000xf32, #tpu.memory_space<hbm>> -> memref<16x10000xf32, #tpu.memory_space<hbm>>
      %dma_start3A_16 = arith.constant 0 : i32
      %dma_start3A_17 = tpu.memref_slice %dma_start3A_15[%arg1, %dma_start3A_16] : memref<16x10000xf32, #tpu.memory_space<hbm>> -> memref<1x10000xf32, #tpu.memory_space<hbm>>
      %dma_start3A_18 = tpu.memref_squeeze %dma_start3A_17 : memref<1x10000xf32, #tpu.memory_space<hbm>> -> memref<10000xf32, #tpu.memory_space<hbm>>
      %dma_start3A_19 = arith.constant 0 : i32
      %dma_start3A_20 = arith.constant 0 : i32
      %dma_start3A_21 = tpu.memref_slice %arg5[%arg0, %dma_start3A_19, %dma_start3A_20] : memref<2x16x10000xf32, #tpu.memory_space<hbm>> -> memref<1x16x10000xf32, #tpu.memory_space<hbm>>
      %dma_start3A_22 = tpu.memref_squeeze %dma_start3A_21 : memref<1x16x10000xf32, #tpu.memory_space<hbm>> -> memref<16x10000xf32, #tpu.memory_space<hbm>>
      %dma_start3A_23 = arith.constant 0 : i32
      %dma_start3A_24 = tpu.memref_slice %dma_start3A_22[%arg1, %dma_start3A_23] : memref<16x10000xf32, #tpu.memory_space<hbm>> -> memref<1x10000xf32, #tpu.memory_space<hbm>>
      %dma_start3A_25 = tpu.memref_squeeze %dma_start3A_24 : memref<1x10000xf32, #tpu.memory_space<hbm>> -> memref<10000xf32, #tpu.memory_space<hbm>>
      tpu.enqueue_dma source(%arg9 : memref<10000xf32, #tpu.memory_space<vmem>>) target(%dma_start3A_25 : memref<10000xf32, #tpu.memory_space<hbm>>) target_semaphore(%run_scoped3A : memref<!tpu.dma_semaphore, #tpu.memory_space<semaphore_mem>>)
      %dma_wait3A = arith.constant 0 : i32
      %dma_wait3A_26 = arith.constant 0 : i32
      %dma_wait3A_27 = tpu.memref_slice %arg5[%arg0, %dma_wait3A, %dma_wait3A_26] : memref<2x16x10000xf32, #tpu.memory_space<hbm>> -> memref<1x16x10000xf32, #tpu.memory_space<hbm>>
      %dma_wait3A_28 = tpu.memref_squeeze %dma_wait3A_27 : memref<1x16x10000xf32, #tpu.memory_space<hbm>> -> memref<16x10000xf32, #tpu.memory_space<hbm>>
      %dma_wait3A_29 = arith.constant 0 : i32
      %dma_wait3A_30 = tpu.memref_slice %dma_wait3A_28[%arg1, %dma_wait3A_29] : memref<16x10000xf32, #tpu.memory_space<hbm>> -> memref<1x10000xf32, #tpu.memory_space<hbm>>
      %dma_wait3A_31 = tpu.memref_squeeze %dma_wait3A_30 : memref<1x10000xf32, #tpu.memory_space<hbm>> -> memref<10000xf32, #tpu.memory_space<hbm>>
      %dma_wait3A_32 = arith.constant 0 : i32
      %dma_wait3A_33 = arith.constant 0 : i32
      %dma_wait3A_34 = tpu.memref_slice %arg5[%arg0, %dma_wait3A_32, %dma_wait3A_33] : memref<2x16x10000xf32, #tpu.memory_space<hbm>> -> memref<1x16x10000xf32, #tpu.memory_space<hbm>>
      %dma_wait3A_35 = tpu.memref_squeeze %dma_wait3A_34 : memref<1x16x10000xf32, #tpu.memory_space<hbm>> -> memref<16x10000xf32, #tpu.memory_space<hbm>>
      %dma_wait3A_36 = arith.constant 0 : i32
      %dma_wait3A_37 = tpu.memref_slice %dma_wait3A_35[%arg1, %dma_wait3A_36] : memref<16x10000xf32, #tpu.memory_space<hbm>> -> memref<1x10000xf32, #tpu.memory_space<hbm>>
      %dma_wait3A_38 = tpu.memref_squeeze %dma_wait3A_37 : memref<1x10000xf32, #tpu.memory_space<hbm>> -> memref<10000xf32, #tpu.memory_space<hbm>>
      tpu.wait_dma2 semaphore(%run_scoped3A : memref<!tpu.dma_semaphore, #tpu.memory_space<semaphore_mem>>) src(%arg9 : memref<10000xf32, #tpu.memory_space<vmem>>) dst(%dma_wait3A_38 : memref<10000xf32, #tpu.memory_space<hbm>>)
      tpu.yield
    }) : () -> ()
    return
  }
}

module attributes {stable_mosaic.version = 14 : i64} {
  func.func @_h_body(%arg0: i32, %arg1: memref<2000x128xf32, #tpu.memory_space<vmem>>, %arg2: memref<2000x32xf32, #tpu.memory_space<vmem>>, %arg3: memref<2000x128xf32, #tpu.memory_space<vmem>>) attributes {dimension_semantics = [#tpu.dimension_semantics<arbitrary>], iteration_bounds = array<i64: 5>, scalar_prefetch = 0 : i64, scratch_operands = 0 : i64, tpu.core_type = #tpu.core_type<tc>, window_params = [{transform_indices = @transform_0, window_bounds = array<i64: 2000, 128>}, {transform_indices = @transform_1, window_bounds = array<i64: 2000, 32>}, {transform_indices = @transform_2, window_bounds = array<i64: 2000, 128>}]} {
    %get3A = arith.constant 0 : index
    %get3A_0 = arith.constant 0 : index
    %get3A_1 = vector.load %arg2[%get3A, %get3A_0] : memref<2000x32xf32, #tpu.memory_space<vmem>>, vector<2000x32xf32>
    %reduce_sum3A = arith.constant dense<0.000000e+00> : vector<2000xf32>
    %reduce_sum3A_2 = vector.multi_reduction <add>, %get3A_1, %reduce_sum3A [1] : vector<2000x32xf32> to vector<2000xf32>
    %max3A = arith.constant 1.000000e+00 : f32
    %max3A_3 = vector.broadcast %max3A : f32 to vector<2000xf32>
    %max3A_4 = arith.maximumf %reduce_sum3A_2, %max3A_3 : vector<2000xf32>
    %rsqrt3A = math.rsqrt %max3A_4 : vector<2000xf32>
    %get3A_5 = arith.constant 0 : index
    %get3A_6 = arith.constant 0 : index
    %get3A_7 = vector.load %arg1[%get3A_5, %get3A_6] : memref<2000x128xf32, #tpu.memory_space<vmem>>, vector<2000x128xf32>
    %broadcast_in_dim3A = vector.shape_cast %rsqrt3A : vector<2000xf32> to vector<2000x1xf32>
    %mul3A = vector.broadcast %broadcast_in_dim3A : vector<2000x1xf32> to vector<2000x128xf32>
    %mul3A_8 = arith.mulf %get3A_7, %mul3A : vector<2000x128xf32>
    %swap3A = arith.constant 0 : index
    %swap3A_9 = arith.constant 0 : index
    %swap3A_10 = vector.load %arg3[%swap3A, %swap3A_9] : memref<2000x128xf32, #tpu.memory_space<vmem>>, vector<2000x128xf32>
    tpu.vector_store %arg3[%swap3A, %swap3A_9], %mul3A_8 {strides = array<i32>} : memref<2000x128xf32, #tpu.memory_space<vmem>>, vector<2000x128xf32>,
    return
  }
  func.func @transform_0(%arg0: i32) -> (i32, i32) {
    %c0_i32 = arith.constant 0 : i32
    %c0_i32_0 = arith.constant 0 : i32
    return %arg0, %c0_i32 : i32, i32
  }
  func.func @transform_1(%arg0: i32) -> (i32, i32) {
    %c0_i32 = arith.constant 0 : i32
    %c0_i32_0 = arith.constant 0 : i32
    return %arg0, %c0_i32 : i32, i32
  }
  func.func @transform_2(%arg0: i32) -> (i32, i32) {
    %c0_i32 = arith.constant 0 : i32
    %c0_i32_0 = arith.constant 0 : i32
    return %arg0, %c0_i32 : i32, i32
  }
}

module attributes {stable_mosaic.version = 14 : i64} {
  func.func @_final_body(%arg0: i32, %arg1: memref<2x2000x128xf32, #tpu.memory_space<vmem>>, %arg2: memref<2000x32xf32, #tpu.memory_space<vmem>>, %arg3: memref<2000x128xf32, #tpu.memory_space<vmem>>, %arg4: memref<128x128xf32, #tpu.memory_space<vmem>>, %arg5: memref<1x128xf32, #tpu.memory_space<vmem>>, %arg6: memref<2000x128xf32, #tpu.memory_space<vmem>>) attributes {dimension_semantics = [#tpu.dimension_semantics<arbitrary>], iteration_bounds = array<i64: 5>, scalar_prefetch = 0 : i64, scratch_operands = 0 : i64, tpu.core_type = #tpu.core_type<tc>, window_params = [{transform_indices = @transform_0, window_bounds = array<i64: 2, 2000, 128>}, {transform_indices = @transform_1, window_bounds = array<i64: 2000, 32>}, {transform_indices = @transform_2, window_bounds = array<i64: 2000, 128>}, {pipeline_mode = #tpu.pipeline_mode<synchronous>, transform_indices = @transform_3, window_bounds = array<i64: 128, 128>}, {pipeline_mode = #tpu.pipeline_mode<synchronous>, transform_indices = @transform_4, window_bounds = array<i64: 1, 128>}, {transform_indices = @transform_5, window_bounds = array<i64: 2000, 128>}]} {
    %get3A = arith.constant 0 : index
    %get3A_0 = arith.constant 0 : index
    %get3A_1 = arith.constant 0 : index
    %get3A_2 = vector.load %arg1[%get3A, %get3A_0, %get3A_1] : memref<2x2000x128xf32, #tpu.memory_space<vmem>>, vector<1x2000x128xf32>
    %get3A_3 = vector.shape_cast %get3A_2 : vector<1x2000x128xf32> to vector<2000x128xf32>
    %get3A_4 = arith.constant 1 : index
    %get3A_5 = arith.constant 0 : index
    %get3A_6 = arith.constant 0 : index
    %get3A_7 = vector.load %arg1[%get3A_4, %get3A_5, %get3A_6] : memref<2x2000x128xf32, #tpu.memory_space<vmem>>, vector<1x2000x128xf32>
    %get3A_8 = vector.shape_cast %get3A_7 : vector<1x2000x128xf32> to vector<2000x128xf32>
    %add3A = arith.addf %get3A_3, %get3A_8 : vector<2000x128xf32>
    %get3A_9 = arith.constant 0 : index
    %get3A_10 = arith.constant 0 : index
    %get3A_11 = vector.load %arg2[%get3A_9, %get3A_10] : memref<2000x32xf32, #tpu.memory_space<vmem>>, vector<2000x32xf32>
    %reduce_sum3A = arith.constant dense<0.000000e+00> : vector<2000xf32>
    %reduce_sum3A_12 = vector.multi_reduction <add>, %get3A_11, %reduce_sum3A [1] : vector<2000x32xf32> to vector<2000xf32>
    %max3A = arith.constant 1.000000e+00 : f32
    %max3A_13 = vector.broadcast %max3A : f32 to vector<2000xf32>
    %max3A_14 = arith.maximumf %reduce_sum3A_12, %max3A_13 : vector<2000xf32>
    %rsqrt3A = math.rsqrt %max3A_14 : vector<2000xf32>
    %broadcast_in_dim3A = vector.shape_cast %rsqrt3A : vector<2000xf32> to vector<2000x1xf32>
    %mul3A = vector.broadcast %broadcast_in_dim3A : vector<2000x1xf32> to vector<2000x128xf32>
    %mul3A_15 = arith.mulf %add3A, %mul3A : vector<2000x128xf32>
    %get3A_16 = arith.constant 0 : index
    %get3A_17 = arith.constant 0 : index
    %get3A_18 = vector.load %arg4[%get3A_16, %get3A_17] : memref<128x128xf32, #tpu.memory_space<vmem>>, vector<128x128xf32>
    %dot_general3A = arith.constant dense<0.000000e+00> : vector<2000x128xf32>
    %dot_general3A_19 = tpu.matmul %mul3A_15, %get3A_18, %dot_general3A {dimension_numbers = #tpu.dot_dimension_numbers<[1], [0], [0], [1], [0, 0, 1, 1], [], []>, transpose_lhs_hint = false} : vector<2000x128xf32>, vector<128x128xf32>, vector<2000x128xf32> -> vector<2000x128xf32>
    %get3A_20 = arith.constant 0 : index
    %get3A_21 = arith.constant 0 : index
    %get3A_22 = vector.load %arg5[%get3A_20, %get3A_21] : memref<1x128xf32, #tpu.memory_space<vmem>>, vector<1x128xf32>
    %get3A_23 = vector.shape_cast %get3A_22 : vector<1x128xf32> to vector<128xf32>
    %broadcast_in_dim3A_24 = vector.shape_cast %get3A_23 : vector<128xf32> to vector<1x128xf32>
    %add3A_25 = vector.broadcast %broadcast_in_dim3A_24 : vector<1x128xf32> to vector<2000x128xf32>
    %add3A_26 = arith.addf %dot_general3A_19, %add3A_25 : vector<2000x128xf32>
    %reduce_sum3A_27 = arith.constant dense<0.000000e+00> : vector<2000xf32>
    %reduce_sum3A_28 = vector.multi_reduction <add>, %add3A_26, %reduce_sum3A_27 [1] : vector<2000x128xf32> to vector<2000xf32>
    %broadcast_in_dim3A_29 = vector.shape_cast %reduce_sum3A_28 : vector<2000xf32> to vector<2000x1xf32>
    %div3A = arith.constant 1.280000e+02 : f32
    %div3A_30 = vector.broadcast %div3A : f32 to vector<2000x1xf32>
    %div3A_31 = arith.divf %broadcast_in_dim3A_29, %div3A_30 : vector<2000x1xf32>
    %sub3A = vector.broadcast %div3A_31 : vector<2000x1xf32> to vector<2000x128xf32>
    %sub3A_32 = arith.subf %add3A_26, %sub3A : vector<2000x128xf32>
    %sub3A_33 = vector.broadcast %div3A_31 : vector<2000x1xf32> to vector<2000x128xf32>
    %sub3A_34 = arith.subf %add3A_26, %sub3A_33 : vector<2000x128xf32>
    %mul3A_35 = arith.mulf %sub3A_32, %sub3A_34 : vector<2000x128xf32>
    %reduce_sum3A_36 = arith.constant dense<0.000000e+00> : vector<2000xf32>
    %reduce_sum3A_37 = vector.multi_reduction <add>, %mul3A_35, %reduce_sum3A_36 [1] : vector<2000x128xf32> to vector<2000xf32>
    %broadcast_in_dim3A_38 = vector.shape_cast %reduce_sum3A_37 : vector<2000xf32> to vector<2000x1xf32>
    %div3A_39 = arith.constant 1.280000e+02 : f32
    %div3A_40 = vector.broadcast %div3A_39 : f32 to vector<2000x1xf32>
    %div3A_41 = arith.divf %broadcast_in_dim3A_38, %div3A_40 : vector<2000x1xf32>
    %sub3A_42 = vector.broadcast %div3A_31 : vector<2000x1xf32> to vector<2000x128xf32>
    %sub3A_43 = arith.subf %add3A_26, %sub3A_42 : vector<2000x128xf32>
    %add3A_44 = arith.constant 9.99999974E-6 : f32
    %add3A_45 = vector.broadcast %add3A_44 : f32 to vector<2000x1xf32>
    %add3A_46 = arith.addf %div3A_41, %add3A_45 : vector<2000x1xf32>
    %rsqrt3A_47 = math.rsqrt %add3A_46 : vector<2000x1xf32>
    %mul3A_48 = vector.broadcast %rsqrt3A_47 : vector<2000x1xf32> to vector<2000x128xf32>
    %mul3A_49 = arith.mulf %sub3A_43, %mul3A_48 : vector<2000x128xf32>
    %max3A_50 = arith.constant 0.000000e+00 : f32
    %max3A_51 = vector.broadcast %max3A_50 : f32 to vector<2000x128xf32>
    %max3A_52 = arith.maximumf %mul3A_49, %max3A_51 : vector<2000x128xf32>
    %get3A_53 = arith.constant 0 : index
    %get3A_54 = arith.constant 0 : index
    %get3A_55 = vector.load %arg3[%get3A_53, %get3A_54] : memref<2000x128xf32, #tpu.memory_space<vmem>>, vector<2000x128xf32>
    %add3A_56 = arith.addf %max3A_52, %get3A_55 : vector<2000x128xf32>
    %swap3A = arith.constant 0 : index
    %swap3A_57 = arith.constant 0 : index
    %swap3A_58 = vector.load %arg6[%swap3A, %swap3A_57] : memref<2000x128xf32, #tpu.memory_space<vmem>>, vector<2000x128xf32>
    tpu.vector_store %arg6[%swap3A, %swap3A_57], %add3A_56 {strides = array<i32>} : memref<2000x128xf32, #tpu.memory_space<vmem>>, vector<2000x128xf32>,
    return
  }
  func.func @transform_0(%arg0: i32) -> (i32, i32, i32) {
    %c0_i32 = arith.constant 0 : i32
    %c0_i32_0 = arith.constant 0 : i32
    %c0_i32_1 = arith.constant 0 : i32
    return %c0_i32, %arg0, %c0_i32_0 : i32, i32, i32
  }
  func.func @transform_1(%arg0: i32) -> (i32, i32) {
    %c0_i32 = arith.constant 0 : i32
    %c0_i32_0 = arith.constant 0 : i32
    return %arg0, %c0_i32 : i32, i32
  }
  func.func @transform_2(%arg0: i32) -> (i32, i32) {
    %c0_i32 = arith.constant 0 : i32
    %c0_i32_0 = arith.constant 0 : i32
    return %arg0, %c0_i32 : i32, i32
  }
  func.func @transform_3(%arg0: i32) -> (i32, i32) {
    %c0_i32 = arith.constant 0 : i32
    %c0_i32_0 = arith.constant 0 : i32
    %c0_i32_1 = arith.constant 0 : i32
    return %c0_i32, %c0_i32_0 : i32, i32
  }
  func.func @transform_4(%arg0: i32) -> (i32, i32) {
    %c0_i32 = arith.constant 0 : i32
    %c0_i32_0 = arith.constant 0 : i32
    %c0_i32_1 = arith.constant 0 : i32
    return %c0_i32, %c0_i32_0 : i32, i32
  }
  func.func @transform_5(%arg0: i32) -> (i32, i32) {
    %c0_i32 = arith.constant 0 : i32
    %c0_i32_0 = arith.constant 0 : i32
    return %arg0, %c0_i32 : i32, i32
  }
}

</mosaic_0001>

<sc_bundles>
// kernel: kernel.6.cloned.1.call-start
scs
__scs_entry_jumppad:
0x0: {  	(pc) =	sbr.rel $0x88, $3  }
0x1: {  	(tag) =	ssettag $0x0;
	lr =	simm.s32 $0x1  }
0x2: {  	[smem:$0x3F9D] =	sst lr;
	_ =	strace $0xD0000000  }
0x3: {  	_ = 	snop  }
0x4: {  	_ = 	snop  }
0x5: {  	_ = 	snop  }
0x6: {  	_ = 	snop  }
0x7: {  	_ = 	snop  }
__scs_overlays_trampoline_lowered:
0x8: {  	[smem:$0x3FAC] =	sst s0  }
0x9: {  	[smem:$0x3FAD] =	sst s1  }
0xa: {  	[smem:$0x3FAE] =	sst s2  }
0xb: {  	[smem:$0x3FAF] =	sst s3  }
0xc: {  	[smem:$0x3FB0] =	sst s4  }
0xd: {  	[smem:$0x3FB1] =	sst s5  }
0xe: {  	[smem:$0x3FB2] =	sst s6  }
0xf: {  	[smem:$0x3FB3] =	sst s7  }
0x10: {  	[smem:$0x3FB4] =	sst s8  }
0x11: {  	[smem:$0x3FB5] =	sst s9;
	s0 =	simm.s32 @!p0 $0x0  }
0x12: {  	s1 =	sld [smem:$0x3F9B];
	s0 =	simm.s32 @p0 $0x1  }
0x13: {  	[smem:$0x3FB6] =	sst s0;
	s0 =	simm.s32 @!p1 $0x0  }
0x14: {  	s2 =	sld [smem:$0x3F9A];
	s0 =	simm.s32 @p1 $0x1  }
0x15: {  	[smem:$0x3FB7] =	sst s0;
	s0 =	simm.s32 @!p2 $0x0  }
0x16: {  	s3 =	sld [smem:$0x3FDB];
	s0 =	simm.s32 @p2 $0x1  }
0x17: {  	s4 =	simm.s32 $0x1BF5;
	[smem:$0x3FB9] =	sst s0  }
0x18: {  	s0 =	sld [smem:$0x3F9C];
	_ =	swait.ge [sflag:s4], $0x0  }
0x19: {  	s7 =	sld [smem:$0x3F9D]  }
0x1a: {  	s8 =	sadd.s32 $0xFFFFE003, lr  }
0x1b: {  	s9 =	sadd.s32 $0xFFFFFEF7, lr;
	s5 =	simm.s32 $0xFFFFFFFF;
	p2 =	slt.u32 s8, $0xFFFFF086  }
0x1c: {  	p1 =	slt.u32 s9, $0xF7A;
	s5 =	simm.s32 @!p2 $0x0  }
0x1d: {  	s5 =	simm.s32 @p1 $0x1;
	p0 =	seq.s32 s7, s2  }
0x1e: {  	s7 =	smul.u32 @!p0 $0xF7A, s2;
	p2 =	seq.s32 @!p0 s5, $0x0  }
0x1f: {  	s9 =	smul.u32 $0xF7A, s1;
	s8 =	simm.s32 @!p0 $0x1BF5;
	p2 =	por !p2, p0  }
0x20: {  	[sflag:s8] =	ssyncset.s32 @!p0 $0xFFFFF086;
	s6 =	sadd.s32 @!p0 s3, s7;
	s7 =	simm.s32 @!p0 $0x108  }
0x21: {  	s3 =	sadd.s32 s3, s9;
	s6 =	sadd.s32 @!p0 $0x88, s6;
	s7 =	simm.s32 @p2 $0x1082  }
0x22: {  	[simem:s7], [sflag:s8] =	dma.local @!p0 [hbm:s6], $0xF7A  }
0x23: {  	s9 =	sor.u32 $0xD0000000, s2;
	s6 =	simm.s32 $0x108;
	_ =	swait.ge @!p0 [sflag:s8], $0x0  }
0x24: {  	s3 =	sadd.s32 $0x88, s3;
	s6 =	simm.s32 @!p1 $0x1082;
	[sflag:s4] =	ssyncset.s32 $0xFFFFF086  }
0x25: {  	[simem:s6], [sflag:s4] =	dma.local [hbm:s3], $0xF7A  }
0x26: {  	[smem:$0x3F9D] =	sst s1;
	(tag) =	ssettag s2;
	_ =	strace s9  }
0x27: {  	s1 =	sld [smem:$0x3FAD]  }
0x28: {  	s2 =	sld [smem:$0x3FAE]  }
0x29: {  	s4 =	sld [smem:$0x3FB0]  }
0x2a: {  	p0 =	seq.s32 s5, $0x0;
	s5 =	sld [smem:$0x3FB1]  }
0x2b: {  	s6 =	sld [smem:$0x3FB2]  }
0x2c: {  	s7 =	sld [smem:$0x3FB3]  }
0x2d: {  	s3 =	simm.s32 $0x108;
	s8 =	sld [smem:$0x3FB4]  }
0x2e: {  	s3 =	simm.s32 @!p0 $0x1082;
	s9 =	sld [smem:$0x3FB5]  }
0x2f: {  	lr =	sadd.s32 s0, s3;
	s0 =	sld [smem:$0x3FAC]  }
0x30: {  	s3 =	sld [smem:$0x3FAF]  }
0x31: {  	[smem:$0x3FB8] =	sst s10  }
0x32: {  	s10 =	sld [smem:$0x3FB6];
	_ =	sdelay $0x3  }
0x33: {  	p0 =	seq.s32 s10, $0x1;
	s10 =	sld [smem:$0x3FB8];
	_ =	sdelay $0x3  }
0x34: {  	[smem:$0x3FB8] =	sst s10  }
0x35: {  	s10 =	sld [smem:$0x3FB7];
	_ =	sdelay $0x3  }
0x36: {  	p1 =	seq.s32 s10, $0x1;
	s10 =	sld [smem:$0x3FB8];
	_ =	sdelay $0x3  }
0x37: {  	[smem:$0x3FB8] =	sst s10  }
0x38: {  	s10 =	sld [smem:$0x3FB9]  }
0x39: {  	_ = 	snop;
	(pc) =	sbr.ind lr, $3  }
0x3a: {  	_ = 	snop  }
0x3b: {  	_ = 	snop  }
0x3c: {  	p2 =	seq.s32 s10, $0x1;
	s10 =	sld [smem:$0x3FB8]  }
0x3d: {  	_ =	shalt  }
0x3e: {  	_ =	shalt  }
0x3f: {  	_ =	shalt  }
0x40: {  	_ =	shalt  }
0x41: {  	_ =	shalt  }
0x42: {  	_ =	shalt  }
0x43: {  	_ =	shalt  }
0x44: {  	_ =	shalt  }
0x45: {  	_ =	shalt  }
0x46: {  	_ =	shalt  }
0x47: {  	_ =	shalt  }
0x48: {  	_ =	shalt  }
0x49: {  	_ =	shalt  }
0x4a: {  	_ =	shalt  }
0x4b: {  	_ =	shalt  }
0x4c: {  	_ =	shalt  }
0x4d: {  	_ =	shalt  }
0x4e: {  	_ =	shalt  }
0x4f: {  	_ =	shalt  }
0x50: {  	_ =	shalt  }
0x51: {  	_ =	shalt  }
0x52: {  	_ =	shalt  }
0x53: {  	_ =	shalt  }
0x54: {  	_ =	shalt  }
0x55: {  	_ =	shalt  }
0x56: {  	_ =	shalt  }
0x57: {  	_ =	shalt  }
0x58: {  	_ =	shalt  }
0x59: {  	_ =	shalt  }
0x5a: {  	_ =	shalt  }
0x5b: {  	_ =	shalt  }
0x5c: {  	_ =	shalt  }
0x5d: {  	_ =	shalt  }
0x5e: {  	_ =	shalt  }
0x5f: {  	_ =	shalt  }
0x60: {  	_ =	shalt  }
0x61: {  	_ =	shalt  }
0x62: {  	_ =	shalt  }
0x63: {  	_ =	shalt  }
0x64: {  	_ =	shalt  }
0x65: {  	_ =	shalt  }
0x66: {  	_ =	shalt  }
0x67: {  	_ =	shalt  }
0x68: {  	_ =	shalt  }
0x69: {  	_ =	shalt  }
0x6a: {  	_ =	shalt  }
0x6b: {  	_ =	shalt  }
0x6c: {  	_ =	shalt  }
0x6d: {  	_ =	shalt  }
0x6e: {  	_ =	shalt  }
0x6f: {  	_ =	shalt  }
0x70: {  	_ =	shalt  }
0x71: {  	_ =	shalt  }
0x72: {  	_ =	shalt  }
0x73: {  	_ =	shalt  }
0x74: {  	_ =	shalt  }
0x75: {  	_ =	shalt  }
0x76: {  	_ =	shalt  }
0x77: {  	_ =	shalt  }
0x78: {  	_ =	shalt  }
0x79: {  	_ =	shalt  }
0x7a: {  	_ =	shalt  }
0x7b: {  	_ =	shalt  }
0x7c: {  	_ =	shalt  }
0x7d: {  	_ =	shalt  }
0x7e: {  	_ =	shalt  }
0x7f: {  	_ =	shalt  }
0x80: {  	_ =	shalt  }
0x81: {  	_ =	shalt  }
0x82: {  	_ =	shalt  }
0x83: {  	_ =	shalt  }
0x84: {  	_ =	shalt  }
0x85: {  	_ =	shalt  }
0x86: {  	_ =	shalt  }
0x87: {  	_ =	shalt  }
.Lfunc_end0:
.L_simem_size_0:
called_computation_lowered:
.L_overlay_start_0:
0x88: {  	s2 =	sld [smem:$0x3FD9]  }
0x89: {  	s3 =	sld [smem:$0x3FFE];
	_ =	sdelay $0x1  }
0x8a: {  	s1 =	srdreg.scid  }
0x8b: {  	s0 =	sand.u32 $0x1, s1  }
0x8c: {  	s16 =	sshll.u32 s0, $0xA;
	s2 =	sadd.s32 s3, s2  }
0x8d: {  	s2 =	sadd.s32 s2, s16  }
0x8e: {  	[smem:$0x3FC4] =	sst s2  }
0x8f: {  	_ = 	snop  }
0x90: {  	(tm) =	ssettm $0x1  }
0x91: {  	s17 =	sld [smem:$0x3FFB];
	_ =	sdelay $0x3  }
0x92: {  	_ =	strace s17  }
0x93: {  	s2 =	sld [smem:$0x3FFC];
	_ =	sdelay $0x3  }
0x94: {  	_ =	strace s2  }
0x95: {  	s2 =	sld [smem:$0x3FFD];
	_ =	sdelay $0x3  }
0x96: {  	_ =	strace s2  }
0x97: {  	_ =	strace $0x8FFFFFFF  }
0x98: {  	s18 =	sld [smem:$0x3FDB];
	_ =	sdelay $0x1  }
0x99: {  	s19 =	simm.s32 $_scs_section_size  }
0x9a: {  	s4 =	simm.s32 $_size__tile_overlayer_lowered;
	s5 =	simm.s32 $_tile_overlayer_lowered  }
0x9b: {  	s22 =	simm.s32 $0x1BFF;
	s21 =	sshll.u32 s5, $0x1;
	s2 =	sadd.s32 s19, s18  }
0x9c: {  	s6 =	simm.s32 $0x0;
	s20 =	sshll.u32 s4, $0x1;
	s4 =	sadd.s32 s21, s2  }
0x9d: {  	[timem:s6], [sflag:s22] =	dma.local [hbm:s4], s20  }
0x9e: {  	_ =	swait.ge [sflag:s22], s20  }
0x9f: {  	s3 =	ssub.s32 $0x0, s20;
	[sflag:s22] =	ssyncset.done $0x0  }
0xa0: {  	[sflag:s22] =	ssyncadd.s32 s3;
	_ =	sdelay $0x1  }
0xa1: {  	s23 =	simm.s32 $0x1B8B  }
0xa2: {  	_ =	swait.ge [sflag:s23], $0x1  }
0xa3: {  	[sflag:s23] =	ssyncset.done $0x0  }
0xa4: {  	s25 =	simm.s32 $0x1B8E;
	s24 =	sld [smem:$0x3FFE];
	[sflag:s23] =	ssyncadd.s32 $0xFFFFFFFF  }
0xa5: {  	s26 =	simm.s32 $execute0_lowered;
	[smem:$0x3FD2] =	sst s25  }
0xa6: {  	s4 =	sshll.u32 s26, $0x1;
	_ =	strace $0x80000046;
	[dreg:$0x1] =	wrdreg $0xFFFFFFFF  }
0xa7: {  	s28 =	simm.s32 $_size_execute0_lowered;
	s2 =	sadd.s32 s2, s4;
	[dreg:$0x0] =	wrdreg $0x0  }
0xa8: {  	s4 =	sshll.u32 s28, $0x1;
	[dreg:$0x2] =	wrdreg s2  }
0xa9: {  	[dreg:$0x3] =	wrdreg s4  }
0xaa: {  	[dreg:$0x4] =	wrdreg $0xC0  }
0xab: {  	_ =	task [dreg:s6], $0x5FFFF  }
0xac: {  	[dreg:$0x1] =	wrdreg $0xFFFFFFFF  }
0xad: {  	[dreg:$0x0] =	wrdreg $0x60  }
0xae: {  	[dreg:$0x2] =	wrdreg s24  }
0xaf: {  	[dreg:$0x3] =	wrdreg $0x9  }
0xb0: {  	_ =	task.clear_ibuf [dreg:s6], $0x4FFFF;
	_ =	strace $0x90000046  }
0xb1: {  	s29 =	simm.s32 $0x9;
	_ =	strace $0x80000048  }
0xb2: {  	_ =	swait.ge [sflag:s29], $0x1  }
0xb3: {  	[sflag:s29] =	ssyncadd.s32 $0xFFFFFFFF  }
0xb4: {  	_ =	strace $0x90000048  }
0xb5: {  	_ =	sfence  }
0xb6: {  	s30 =	sld [smem:$0x0];
	_ =	sdelay $0x2  }
0xb7: {  	s31 =	sshll.u32 s1, $0xD;
	s1 =	sshrl.u32 s1, $0x2  }
0xb8: {  	s3 =	sand.u32 $0x4000, s31;
	s1 =	sadd.s32 s1, s30  }
0xb9: {  	s0 =	sor.u32 s3, s0;
	s1 =	sshll.u32 s1, $0x11  }
0xba: {  	s0 =	sor.u32 s1, s0  }
0xbb: {  	s0 =	sadd.s32 $0x8F2B, s0  }
0xbc: {  	[sflag:s0] =	ssyncadd.remote.s32 $0x1  }
0xbd: {  	_ =	sfence.sel $0xFFFF  }
0xbe: {  	[dreg:$0x0] =	wrdreg $0xFFFFFFFF;
	(pc) =	sbr.abs _section_cstart, $3  }
0xbf: {  	[dreg:$0x1] =	wrdreg $0xFFFFFFFF  }
0xc0: {  	_ =	task.clear_ibuf [dreg:s6], $0x2FFFF;
	_ =	strace $0x9FFFFFFF  }
0xc1: {  	(tm) =	ssettm $0x7FFFFFFF  }
tec
execute0_lowered:
.L_overlay_start_1:
0x0: {  	(tag) =	ssettag $0x1  }
0x1: {  	s5 =	rddreg [dreg:$0x0]  }
0x2: {  	s0 =	rddreg [dreg:$0x1]  }
0x3: {  	s1 =	simm.s32 $0x0;
	s2 =	srdreg.scid;
	s12 =	simm.s32 $0x80  }
0x4: {  	s13 =	simm.s32 $0x400;
	[smem:$0x7FF] =	sst s1;
	s6 =	sand.u32 $0x1, s2  }
0x5: {  	s3 =	sadd.s32 $0xB600, s5;
	s4 =	sadd.s32 $0x1800, s5;
	s2 =	stileid.u32  }
0x6: {  	_ =	strace $0x80000047;
	s7 =	smul.u32 $0x4F00, s6;
	s26 =	ssub.s32 $0x2, s6  }
0x7: {  	s8 =	sshrl.u32 s2, $0x3;
	s9 =	sshll.u32 s2, $0x1;
	s10 =	sshll.u32 s2, $0x7  }
0x8: {  	s8 =	smul.u32 $0x13C00, s8;
	s11 =	sshrl.u32 s26, $0x1;
	s6 =	sor.u32 s6, s9  }
0x9: {  	s28 =	sand.u32 $0x380, s10;
	s9 =	simm.s32 $0x1000;
	s10 =	simm.s32 $0x3780  }
0xa: {  	s7 =	sadd.s32 s7, s5;
	s29 =	ssub.s32 s26, s11;
	s5 =	smul.u32 $0x2710, s6  }
0xb: {  	s30 =	sor.u32 s28, s8;
	s31 =	sadd.s32 $0x15400, s7;
	s15 =	sadd.s32 $0x1F200, s7  }
0xc: {  	s6 =	smax.u32 s29, $0x1;
	s7 =	simm.s32 $0x1;
	s14 =	sshrl.u32 s30, $0x3  }
0xd: {  	v0 =	vimm.f32 $0.0e+00;
	v1 =	vimm.f32 $1.000000000e+00;
	s8 =	simm.s32 $0x800;
	s11 =	sadd.s32 s14, s31;
	s14 =	sadd.s32 s14, s15  }
.LBB2_1:
0xe: {  	s15 =	simm.s32 $0x40;
	s16 =	simm.s32 $0x0  }
.LBB2_2:
0xf: {  	p0 =	sne.s32 s15, $0x9C00;
	[tilespmem:s16+$0x1000] =	vst v0;
	s17 =	smov.u32 s15;
	s15 =	sadd.s32 $0x40, s15  }
.Ltmp0:
0x10: {  	[tilespmem:s16+$0x3780] =	vst v0;
	(pc) =	sbr.rel @p0 .LBB2_2-.Ltmp0, $2  }
0x11: {  	_ =	sdelay $0x2  }
0x12: {  	s16 =	sshra.s32 s17, $0x2  }
0x13: {  	[tilespmem:s16+$0x1000] =	vst v0  }
0x14: {  	s15 =	simm.s32 $0x0;
	[tilespmem:s16+$0x3780] =	vst v0;
	s16 =	simm.s32 $0x0  }
.LBB2_4:
0x15: {  	s17 =	smul.u32 $0x7D0, s16;
	_ =	sdelay $0x1  }
0x16: {  	s17 =	sadd.s32 s5, s17  }
0x17: {  	s17 =	sshrl.u32 s17, $0x3  }
0x18: {  	s18 =	sadd.s32 s3, s17  }
0x19: {  	[tilespmem:s15], [sflag:$0x1] =	stream.linear.gather [hbm4b:s18+s15], $0x7D0, $0x38;
	[tilespmem:$0x5F00] =	vst v63  }
0x1a: {  	_ =	swait.ge [sflag:s7], $0x7D0  }
0x1b: {  	[sflag:s7] =	ssyncset.done $0x0  }
0x1c: {  	s17 =	sadd.s32 s4, s17;
	[sflag:s7] =	ssyncadd.s32 $0xFFFFF830  }
0x1d: {  	[tilespmem:s8], [sflag:$0x1] =	stream.linear.gather [hbm4b:s17+s15], $0x7D0, $0x38;
	[tilespmem:$0x5F00] =	vst v63  }
0x1e: {  	_ =	swait.ge [sflag:s7], $0x7D0  }
0x1f: {  	[sflag:s7] =	ssyncset.done $0x0  }
0x20: {  	s18 =	simm.s32 $0x0;
	s17 =	simm.s32 $0x40;
	[sflag:s7] =	ssyncadd.s32 $0xFFFFF830  }
.LBB2_5:
0x21: {  	p0 =	sne.s32 s17, $0x1F00;
	v2 =	vld [tilespmem:s18+$0x0];
	_ =	sdelay $0x7  }
0x22: {  	[tilespmem:v2+s9+$0x0] =	vst.idx.add.f32.msk $0xffff, v1  }
0x23: {  	v2 =	vld [tilespmem:s18+$0x800];
	_ =	sdelay $0x3  }
.Ltmp1:
0x24: {  	(pc) =	sbr.rel @p0 .LBB2_5-.Ltmp1, $2  }
0x25: {  	_ =	sdelay $0x2  }
0x26: {  	s18 =	sshra.s32 s17, $0x2;
	s17 =	sadd.s32 $0x40, s17;
	[tilespmem:v2+s10+$0x0] =	vst.idx.add.f32.msk $0xffff, v1  }
0x27: {  	v2 =	vld [tilespmem:s18+$0x0];
	_ =	sdelay $0x7  }
0x28: {  	[tilespmem:v2+s9+$0x0] =	vst.idx.add.f32.msk $0xffff, v1  }
0x29: {  	v2 =	vld [tilespmem:s18+$0x800];
	_ =	sdelay $0x1  }
0x2a: {  	s16 =	sadd.s32 $0x1, s16  }
0x2b: {  	p0 =	sne.s32 s16, $0x5  }
.Ltmp2:
0x2c: {  	_ = 	snop;
	(pc) =	sbr.rel @p0 .LBB2_4-.Ltmp2, $2  }
0x2d: {  	_ =	sdelay $0x2  }
0x2e: {  	[tilespmem:v2+s10+$0x0] =	vst.idx.add.f32.msk $0xffff, v1  }
0x2f: {  	[hbm4b:s11+s12] =	stream.strided.scatter [tilespmem:s9], [sflag:$0x1], $0x2780, s13, s12, $0x38;
	[tilespmem:$0x5F00] =	vst v63  }
0x30: {  	s1 =	sadd.s32 $0x1, s1;
	_ =	swait.ge [sflag:s7], $0x2780  }
0x31: {  	p0 =	sne.s32 s1, s6;
	[sflag:s7] =	ssyncset.done $0x0  }
.Ltmp3:
0x32: {  	[sflag:s7] =	ssyncadd.s32 $0xFFFFD880;
	(pc) =	sbr.rel @p0 .LBB2_1-.Ltmp3, $4  }
0x33: {  	[hbm4b:s14+s12] =	stream.strided.scatter [tilespmem:s10], [sflag:$0x1], $0x2780, s13, s12, $0x38;
	[tilespmem:$0x5F00] =	vst v63  }
0x34: {  	_ =	swait.ge [sflag:s7], $0x2780  }
0x35: {  	[sflag:s7] =	ssyncset.done $0x0  }
0x36: {  	[sflag:s7] =	ssyncadd.s32 $0xFFFFD880  }
0x37: {  	_ =	sfence.sel $0x180000  }
0x38: {  	[bflag:$0x0] =	sbarrier.arrive $0xFFFF  }
0x39: {  	p0 =	sne.s32 s2, $0x0;
	_ =	strace $0x90000047  }
0x3a: {  	s0 =	sadd.s32 @!p0 $0x100000, s0;
	[bflag:$0x2] =	sbarrier.arrive $0xFFFF  }
0x3b: {  	[sflag:s0] =	ssyncadd.tile.s32 @!p0 $0x1;
	_ =	shalt  }
.Lfunc_end2:
_tile_overlayer_lowered:
.L_overlay_start_2:
0x3c: {  	(tag) =	ssettag $0x2  }
0x3d: {  	s0 =	rddreg [dreg:$0x0];
	s2 =	stileid.u32  }
0x3e: {  	s1 =	rddreg [dreg:$0x1];
	p0 =	sne.s32 s2, $0x0  }
0x3f: {  	s3 =	rddreg [dreg:$0x2];
	[bflag:$0x3] =	sbarrier.arrive $0xFFFF;
	s2 =	simm.s32 @!p0 $0x1C01  }
0x40: {  	[timem:s3], [sflag:s2] =	dma.local @!p0 [hbm:s0], s1  }
0x41: {  	s0 =	simm.s32 @!p0 $0x1  }
0x42: {  	_ =	swait.ge @!p0 [sflag:s0], s1  }
0x43: {  	s1 =	ssub.s32 @!p0 $0x0, s1;
	[sflag:s0] =	ssyncset.done @!p0 $0x0  }
0x44: {  	[sflag:s0] =	ssyncadd.s32 @!p0 s1  }
0x45: {  	[bflag:$0x3] =	sbarrier.arrive $0xFFFF  }
0x46: {  	_ =	shalt  }

// kernel: kernel.9.cloned.1.call-start
scs
__scs_entry_jumppad:
0x0: {  	(pc) =	sbr.rel $0x88, $3  }
0x1: {  	(tag) =	ssettag $0x0;
	lr =	simm.s32 $0x1  }
0x2: {  	[smem:$0x3F9D] =	sst lr;
	_ =	strace $0xD0000000  }
0x3: {  	_ = 	snop  }
0x4: {  	_ = 	snop  }
0x5: {  	_ = 	snop  }
0x6: {  	_ = 	snop  }
0x7: {  	_ = 	snop  }
__scs_overlays_trampoline_lowered:
0x8: {  	[smem:$0x3FAC] =	sst s0  }
0x9: {  	[smem:$0x3FAD] =	sst s1  }
0xa: {  	[smem:$0x3FAE] =	sst s2  }
0xb: {  	[smem:$0x3FAF] =	sst s3  }
0xc: {  	[smem:$0x3FB0] =	sst s4  }
0xd: {  	[smem:$0x3FB1] =	sst s5  }
0xe: {  	[smem:$0x3FB2] =	sst s6  }
0xf: {  	[smem:$0x3FB3] =	sst s7  }
0x10: {  	[smem:$0x3FB4] =	sst s8  }
0x11: {  	[smem:$0x3FB5] =	sst s9;
	s0 =	simm.s32 @!p0 $0x0  }
0x12: {  	s1 =	sld [smem:$0x3F9B];
	s0 =	simm.s32 @p0 $0x1  }
0x13: {  	[smem:$0x3FB6] =	sst s0;
	s0 =	simm.s32 @!p1 $0x0  }
0x14: {  	s2 =	sld [smem:$0x3F9A];
	s0 =	simm.s32 @p1 $0x1  }
0x15: {  	[smem:$0x3FB7] =	sst s0;
	s0 =	simm.s32 @!p2 $0x0  }
0x16: {  	s3 =	sld [smem:$0x3FDB];
	s0 =	simm.s32 @p2 $0x1  }
0x17: {  	s4 =	simm.s32 $0x1BF5;
	[smem:$0x3FB9] =	sst s0  }
0x18: {  	s0 =	sld [smem:$0x3F9C];
	_ =	swait.ge [sflag:s4], $0x0  }
0x19: {  	s7 =	sld [smem:$0x3F9D]  }
0x1a: {  	s8 =	sadd.s32 $0xFFFFE003, lr  }
0x1b: {  	s9 =	sadd.s32 $0xFFFFFEF7, lr;
	s5 =	simm.s32 $0xFFFFFFFF;
	p2 =	slt.u32 s8, $0xFFFFF086  }
0x1c: {  	p1 =	slt.u32 s9, $0xF7A;
	s5 =	simm.s32 @!p2 $0x0  }
0x1d: {  	s5 =	simm.s32 @p1 $0x1;
	p0 =	seq.s32 s7, s2  }
0x1e: {  	s7 =	smul.u32 @!p0 $0xF7A, s2;
	p2 =	seq.s32 @!p0 s5, $0x0  }
0x1f: {  	s9 =	smul.u32 $0xF7A, s1;
	s8 =	simm.s32 @!p0 $0x1BF5;
	p2 =	por !p2, p0  }
0x20: {  	[sflag:s8] =	ssyncset.s32 @!p0 $0xFFFFF086;
	s6 =	sadd.s32 @!p0 s3, s7;
	s7 =	simm.s32 @!p0 $0x108  }
0x21: {  	s3 =	sadd.s32 s3, s9;
	s6 =	sadd.s32 @!p0 $0x88, s6;
	s7 =	simm.s32 @p2 $0x1082  }
0x22: {  	[simem:s7], [sflag:s8] =	dma.local @!p0 [hbm:s6], $0xF7A  }
0x23: {  	s9 =	sor.u32 $0xD0000000, s2;
	s6 =	simm.s32 $0x108;
	_ =	swait.ge @!p0 [sflag:s8], $0x0  }
0x24: {  	s3 =	sadd.s32 $0x88, s3;
	s6 =	simm.s32 @!p1 $0x1082;
	[sflag:s4] =	ssyncset.s32 $0xFFFFF086  }
0x25: {  	[simem:s6], [sflag:s4] =	dma.local [hbm:s3], $0xF7A  }
0x26: {  	[smem:$0x3F9D] =	sst s1;
	(tag) =	ssettag s2;
	_ =	strace s9  }
0x27: {  	s1 =	sld [smem:$0x3FAD]  }
0x28: {  	s2 =	sld [smem:$0x3FAE]  }
0x29: {  	s4 =	sld [smem:$0x3FB0]  }
0x2a: {  	p0 =	seq.s32 s5, $0x0;
	s5 =	sld [smem:$0x3FB1]  }
0x2b: {  	s6 =	sld [smem:$0x3FB2]  }
0x2c: {  	s7 =	sld [smem:$0x3FB3]  }
0x2d: {  	s3 =	simm.s32 $0x108;
	s8 =	sld [smem:$0x3FB4]  }
0x2e: {  	s3 =	simm.s32 @!p0 $0x1082;
	s9 =	sld [smem:$0x3FB5]  }
0x2f: {  	lr =	sadd.s32 s0, s3;
	s0 =	sld [smem:$0x3FAC]  }
0x30: {  	s3 =	sld [smem:$0x3FAF]  }
0x31: {  	[smem:$0x3FB8] =	sst s10  }
0x32: {  	s10 =	sld [smem:$0x3FB6];
	_ =	sdelay $0x3  }
0x33: {  	p0 =	seq.s32 s10, $0x1;
	s10 =	sld [smem:$0x3FB8];
	_ =	sdelay $0x3  }
0x34: {  	[smem:$0x3FB8] =	sst s10  }
0x35: {  	s10 =	sld [smem:$0x3FB7];
	_ =	sdelay $0x3  }
0x36: {  	p1 =	seq.s32 s10, $0x1;
	s10 =	sld [smem:$0x3FB8];
	_ =	sdelay $0x3  }
0x37: {  	[smem:$0x3FB8] =	sst s10  }
0x38: {  	s10 =	sld [smem:$0x3FB9]  }
0x39: {  	_ = 	snop;
	(pc) =	sbr.ind lr, $3  }
0x3a: {  	_ = 	snop  }
0x3b: {  	_ = 	snop  }
0x3c: {  	p2 =	seq.s32 s10, $0x1;
	s10 =	sld [smem:$0x3FB8]  }
0x3d: {  	_ =	shalt  }
0x3e: {  	_ =	shalt  }
0x3f: {  	_ =	shalt  }
0x40: {  	_ =	shalt  }
0x41: {  	_ =	shalt  }
0x42: {  	_ =	shalt  }
0x43: {  	_ =	shalt  }
0x44: {  	_ =	shalt  }
0x45: {  	_ =	shalt  }
0x46: {  	_ =	shalt  }
0x47: {  	_ =	shalt  }
0x48: {  	_ =	shalt  }
0x49: {  	_ =	shalt  }
0x4a: {  	_ =	shalt  }
0x4b: {  	_ =	shalt  }
0x4c: {  	_ =	shalt  }
0x4d: {  	_ =	shalt  }
0x4e: {  	_ =	shalt  }
0x4f: {  	_ =	shalt  }
0x50: {  	_ =	shalt  }
0x51: {  	_ =	shalt  }
0x52: {  	_ =	shalt  }
0x53: {  	_ =	shalt  }
0x54: {  	_ =	shalt  }
0x55: {  	_ =	shalt  }
0x56: {  	_ =	shalt  }
0x57: {  	_ =	shalt  }
0x58: {  	_ =	shalt  }
0x59: {  	_ =	shalt  }
0x5a: {  	_ =	shalt  }
0x5b: {  	_ =	shalt  }
0x5c: {  	_ =	shalt  }
0x5d: {  	_ =	shalt  }
0x5e: {  	_ =	shalt  }
0x5f: {  	_ =	shalt  }
0x60: {  	_ =	shalt  }
0x61: {  	_ =	shalt  }
0x62: {  	_ =	shalt  }
0x63: {  	_ =	shalt  }
0x64: {  	_ =	shalt  }
0x65: {  	_ =	shalt  }
0x66: {  	_ =	shalt  }
0x67: {  	_ =	shalt  }
0x68: {  	_ =	shalt  }
0x69: {  	_ =	shalt  }
0x6a: {  	_ =	shalt  }
0x6b: {  	_ =	shalt  }
0x6c: {  	_ =	shalt  }
0x6d: {  	_ =	shalt  }
0x6e: {  	_ =	shalt  }
0x6f: {  	_ =	shalt  }
0x70: {  	_ =	shalt  }
0x71: {  	_ =	shalt  }
0x72: {  	_ =	shalt  }
0x73: {  	_ =	shalt  }
0x74: {  	_ =	shalt  }
0x75: {  	_ =	shalt  }
0x76: {  	_ =	shalt  }
0x77: {  	_ =	shalt  }
0x78: {  	_ =	shalt  }
0x79: {  	_ =	shalt  }
0x7a: {  	_ =	shalt  }
0x7b: {  	_ =	shalt  }
0x7c: {  	_ =	shalt  }
0x7d: {  	_ =	shalt  }
0x7e: {  	_ =	shalt  }
0x7f: {  	_ =	shalt  }
0x80: {  	_ =	shalt  }
0x81: {  	_ =	shalt  }
0x82: {  	_ =	shalt  }
0x83: {  	_ =	shalt  }
0x84: {  	_ =	shalt  }
0x85: {  	_ =	shalt  }
0x86: {  	_ =	shalt  }
0x87: {  	_ =	shalt  }
.Lfunc_end0:
.L_simem_size_0:
called_computation.1_lowered:
.L_overlay_start_0:
0x88: {  	s2 =	sld [smem:$0x3FD9]  }
0x89: {  	s3 =	sld [smem:$0x3FFE];
	_ =	sdelay $0x1  }
0x8a: {  	s1 =	srdreg.scid  }
0x8b: {  	s0 =	sand.u32 $0x1, s1  }
0x8c: {  	s17 =	sshll.u32 s0, $0xA;
	s2 =	sadd.s32 s3, s2  }
0x8d: {  	s2 =	sadd.s32 s2, s17  }
0x8e: {  	[smem:$0x3FC4] =	sst s2  }
0x8f: {  	_ = 	snop  }
0x90: {  	s2 =	sld [smem:$0x3FD0];
	(tm) =	ssettm $0x1  }
0x91: {  	s18 =	sld [smem:$0x3FFB];
	_ =	sdelay $0x3  }
0x92: {  	_ =	strace s18  }
0x93: {  	s3 =	sld [smem:$0x3FFC];
	_ =	sdelay $0x3  }
0x94: {  	_ =	strace s3  }
0x95: {  	s3 =	sld [smem:$0x3FFD];
	_ =	sdelay $0x3  }
0x96: {  	_ =	strace s3  }
0x97: {  	_ =	strace $0x8FFFFFFF  }
0x98: {  	s19 =	sld [smem:$0x3FDB];
	_ =	sdelay $0x1  }
0x99: {  	s4 =	simm.s32 $_scs_section_size  }
0x9a: {  	s5 =	simm.s32 $_size__tile_overlayer_lowered;
	s6 =	simm.s32 $_tile_overlayer_lowered  }
0x9b: {  	s22 =	simm.s32 $0x1BFF;
	s21 =	sshll.u32 s6, $0x1;
	s3 =	sadd.s32 s4, s19  }
0x9c: {  	s7 =	simm.s32 $0x0;
	s20 =	sshll.u32 s5, $0x1;
	s5 =	sadd.s32 s21, s3  }
0x9d: {  	[timem:s7], [sflag:s22] =	dma.local [hbm:s5], s20  }
0x9e: {  	_ =	swait.ge [sflag:s22], s20  }
0x9f: {  	s4 =	ssub.s32 $0x0, s20;
	[sflag:s22] =	ssyncset.done $0x0  }
0xa0: {  	[sflag:s22] =	ssyncadd.s32 s4;
	_ =	sdelay $0x1  }
0xa1: {  	s23 =	simm.s32 $0x1B8B  }
0xa2: {  	_ =	swait.ge [sflag:s23], $0x1  }
0xa3: {  	[sflag:s23] =	ssyncset.done $0x0  }
0xa4: {  	s25 =	simm.s32 $0x1B8E;
	s24 =	sld [smem:$0x3FFE];
	[sflag:s23] =	ssyncadd.s32 $0xFFFFFFFF  }
0xa5: {  	s26 =	simm.s32 $execute0_lowered;
	[smem:$0x3FD2] =	sst s25  }
0xa6: {  	s5 =	sshll.u32 s26, $0x1;
	_ =	strace $0x80000049;
	[dreg:$0x1] =	wrdreg $0xFFFFFFFF  }
0xa7: {  	s28 =	simm.s32 $_size_execute0_lowered;
	s3 =	sadd.s32 s3, s5;
	[dreg:$0x0] =	wrdreg $0x0  }
0xa8: {  	s5 =	sshll.u32 s28, $0x1;
	[dreg:$0x2] =	wrdreg s3  }
0xa9: {  	[dreg:$0x3] =	wrdreg s5  }
0xaa: {  	[dreg:$0x4] =	wrdreg $0xC0  }
0xab: {  	_ =	task [dreg:s7], $0x5FFFF  }
0xac: {  	[dreg:$0x1] =	wrdreg $0xFFFFFFFF  }
0xad: {  	[dreg:$0x0] =	wrdreg $0x60  }
0xae: {  	[dreg:$0x2] =	wrdreg s24  }
0xaf: {  	[dreg:$0x3] =	wrdreg s2  }
0xb0: {  	[dreg:$0x4] =	wrdreg $0xA8000  }
0xb1: {  	[dreg:$0x5] =	wrdreg $0x9  }
0xb2: {  	_ =	task.clear_ibuf [dreg:s7], $0x6FFFF;
	_ =	strace $0x90000049  }
0xb3: {  	s29 =	simm.s32 $0x9;
	_ =	strace $0x8000004B  }
0xb4: {  	_ =	swait.ge [sflag:s29], $0x1  }
0xb5: {  	[sflag:s29] =	ssyncadd.s32 $0xFFFFFFFF  }
0xb6: {  	_ =	strace $0x9000004B  }
0xb7: {  	_ =	sfence  }
0xb8: {  	s30 =	sld [smem:$0x0];
	_ =	sdelay $0x2  }
0xb9: {  	s31 =	sshll.u32 s1, $0xD;
	s1 =	sshrl.u32 s1, $0x2  }
0xba: {  	s3 =	sand.u32 $0x4000, s31;
	s1 =	sadd.s32 s1, s30  }
0xbb: {  	s0 =	sor.u32 s3, s0;
	s1 =	sshll.u32 s1, $0x11  }
0xbc: {  	s0 =	sor.u32 s1, s0  }
0xbd: {  	s0 =	sadd.s32 $0x8F2B, s0  }
0xbe: {  	[sflag:s0] =	ssyncadd.remote.s32 $0x1  }
0xbf: {  	_ =	sfence.sel $0xFFFF  }
0xc0: {  	[dreg:$0x0] =	wrdreg $0xFFFFFFFF;
	(pc) =	sbr.abs _section_cstart, $3  }
0xc1: {  	[dreg:$0x1] =	wrdreg $0xFFFFFFFF  }
0xc2: {  	_ =	task.clear_ibuf [dreg:s7], $0x2FFFF;
	_ =	strace $0x9FFFFFFF  }
0xc3: {  	(tm) =	ssettm $0x7FFFFFFF  }
tec
execute0_lowered:
.L_overlay_start_1:
0x0: {  	(tag) =	ssettag $0x1  }
0x1: {  	s5 =	rddreg [dreg:$0x0]  }
0x2: {  	s15 =	rddreg [dreg:$0x1]  }
0x3: {  	s1 =	rddreg [dreg:$0x2];
	s2 =	simm.s32 $0x0;
	s3 =	srdreg.scid  }
0x4: {  	s0 =	stileid.u32;
	s18 =	simm.s32 $0x3;
	s19 =	simm.s32 $0x1400  }
0x5: {  	s20 =	simm.s32 $0x80;
	s21 =	simm.s32 $0x6800;
	s22 =	simm.s32 $0x1  }
0x6: {  	s23 =	simm.s32 $0x2;
	s24 =	simm.s32 $0x1380;
	s26 =	simm.s32 $0x2700  }
0x7: {  	s28 =	simm.s32 $0x2780;
	[smem:$0x7FF] =	sst s2;
	s6 =	sand.u32 $0x1, s3  }
0x8: {  	s8 =	smul.u32 $0x4E000, s0;
	s4 =	sadd.s32 $0x33000, s5;
	s16 =	sadd.s32 $0x29000, s5  }
0x9: {  	s31 =	sshll.u32 s0, $0x1;
	s25 =	smul.u32 $0x2700, s0;
	p0 =	sne.s32 s0, $0xF  }
0xa: {  	s7 =	smul.u32 $0x27100, s6;
	_ =	strace $0x8000004A;
	s9 =	ssub.s32 $0x2, s6  }
0xb: {  	s11 =	sor.u32 s6, s31;
	s29 =	sshrl.u32 s9, $0x1;
	s30 =	sshrl.u32 s8, $0x2  }
0xc: {  	s14 =	smul.u32 $0x500, s11;
	s10 =	sadd.s32 s7, s5;
	s5 =	sadd.s32 s30, s1  }
0xd: {  	s9 =	ssub.s32 s9, s29;
	s7 =	sadd.s32 $0x138000, s1;
	s6 =	sadd.s32 $0x10000, s5  }
0xe: {  	s8 =	sadd.s32 $0x5A200, s10;
	s9 =	smax.u32 s9, $0x1;
	s10 =	sadd.s32 $0x4000, s5  }
0xf: {  	s11 =	sadd.s32 $0x8000, s5;
	s12 =	sadd.s32 $0xC000, s5;
	s17 =	sadd.s32 $0x280, s14  }
0x10: {  	s13 =	sadd.s32 s15, s14;
	s14 =	sadd.s32 s16, s14;
	s15 =	sadd.s32 s15, s17  }
0x11: {  	v0 =	vimm.f32 $0.0e+00;
	s16 =	sadd.s32 s16, s17;
	s17 =	simm.s32 $0x2800;
	s25 =	sadd.s32 s25, s8  }
.LBB2_1:
0x12: {  	s29 =	simm.s32 $0x0;
	s30 =	simm.s32 $0x200  }
.LBB2_2:
0x13: {  	p1 =	sne.s32 s30, $0xFE00;
	[tilespmem:s29+$0x2870] =	vst v0  }
0x14: {  	[tilespmem:s29+$0x2800] =	vst v0  }
0x15: {  	[tilespmem:s29+$0x2810] =	vst v0  }
.Ltmp0:
0x16: {  	[tilespmem:s29+$0x2820] =	vst v0;
	(pc) =	sbr.rel @p1 .LBB2_2-.Ltmp0, $4  }
0x17: {  	[tilespmem:s29+$0x2830] =	vst v0  }
0x18: {  	[tilespmem:s29+$0x2840] =	vst v0  }
0x19: {  	[tilespmem:s29+$0x2850] =	vst v0  }
0x1a: {  	[tilespmem:s29+$0x2860] =	vst v0;
	s29 =	sshra.s32 s30, $0x2;
	s30 =	sadd.s32 $0x200, s30  }
0x1b: {  	[tilespmem:s29+$0x2870] =	vst v0  }
0x1c: {  	[tilespmem:s29+$0x2800] =	vst v0  }
0x1d: {  	[tilespmem:s29+$0x2810] =	vst v0  }
0x1e: {  	[tilespmem:s29+$0x2820] =	vst v0  }
0x1f: {  	[tilespmem:s29+$0x2830] =	vst v0  }
0x20: {  	[tilespmem:s29+$0x2840] =	vst v0  }
0x21: {  	[tilespmem:s29+$0x2850] =	vst v0  }
0x22: {  	[tilespmem:s29+$0x2860] =	vst v0  }
0x23: {  	[spmem:s5] =	stream.linear.scatter [tilespmem:s17], [sflag:$0x3], $0x4000, $0x38;
	[tilespmem:$0x1E080] =	vst v63  }
0x24: {  	_ =	swait.ge [sflag:s18], $0x4000  }
0x25: {  	[sflag:s18] =	ssyncset.done $0x0  }
0x26: {  	[sflag:s18] =	ssyncadd.s32 $0xFFFFC000  }
0x27: {  	[spmem:s10] =	stream.linear.scatter [tilespmem:s17], [sflag:$0x3], $0x4000, $0x38;
	[tilespmem:$0x1E080] =	vst v63  }
0x28: {  	_ =	swait.ge [sflag:s18], $0x4000  }
0x29: {  	[sflag:s18] =	ssyncset.done $0x0  }
0x2a: {  	[sflag:s18] =	ssyncadd.s32 $0xFFFFC000  }
0x2b: {  	[spmem:s11] =	stream.linear.scatter [tilespmem:s17], [sflag:$0x3], $0x4000, $0x38;
	[tilespmem:$0x1E080] =	vst v63  }
0x2c: {  	_ =	swait.ge [sflag:s18], $0x4000  }
0x2d: {  	[sflag:s18] =	ssyncset.done $0x0  }
0x2e: {  	[sflag:s18] =	ssyncadd.s32 $0xFFFFC000  }
0x2f: {  	[spmem:s12] =	stream.linear.scatter [tilespmem:s17], [sflag:$0x3], $0x4000, $0x38;
	[tilespmem:$0x1E080] =	vst v63  }
0x30: {  	_ =	swait.ge [sflag:s18], $0x4000  }
0x31: {  	[sflag:s18] =	ssyncset.done $0x0  }
0x32: {  	[sflag:s18] =	ssyncadd.s32 $0xFFFFC000  }
0x33: {  	[spmem:s6] =	stream.linear.scatter [tilespmem:s17], [sflag:$0x3], $0x3800, $0x38;
	[tilespmem:$0x1E080] =	vst v63  }
0x34: {  	_ =	swait.ge [sflag:s18], $0x3800  }
0x35: {  	[sflag:s18] =	ssyncset.done $0x0  }
0x36: {  	s29 =	simm.s32 @!p0 $0x2800;
	[sflag:s18] =	ssyncadd.s32 $0xFFFFC800  }
0x37: {  	[spmem:s7] =	stream.linear.scatter @!p0 [tilespmem:s29], [sflag:$0x3], $0x800, $0x38;
	[tilespmem:$0x1E080] =	vst v63  }
0x38: {  	s29 =	simm.s32 @!p0 $0x3  }
0x39: {  	_ =	swait.ge @!p0 [sflag:s29], $0x800  }
0x3a: {  	[sflag:s29] =	ssyncset.done @!p0 $0x0  }
0x3b: {  	[sflag:s29] =	ssyncadd.s32 @!p0 $0xFFFFF800  }
0x3c: {  	s29 =	simm.s32 $0x0;
	[bflag:$0x0] =	sbarrier.arrive $0xFFFF  }
0x3d: {  	[tilespmem:s29], [sflag:$0x3] =	stream.linear.gather [hbm4b:s13+s29], $0x1400, $0x38;
	[tilespmem:$0x1E080] =	vst v63  }
0x3e: {  	_ =	swait.ge [sflag:s18], $0x1400  }
0x3f: {  	[sflag:s18] =	ssyncset.done $0x0  }
0x40: {  	[sflag:s18] =	ssyncadd.s32 $0xFFFFEC00  }
0x41: {  	[tilespmem:s19], [sflag:$0x3] =	stream.linear.gather [hbm4b:s14+s29], $0x1400, $0x38;
	[tilespmem:$0x1E080] =	vst v63  }
0x42: {  	_ =	swait.ge [sflag:s18], $0x1400  }
0x43: {  	[sflag:s18] =	ssyncset.done $0x0  }
0x44: {  	[sflag:s18] =	ssyncadd.s32 $0xFFFFEC00  }
0x45: {  	[tilespmem:s17], [sflag:$0x1] =	stream.indirect.gather [hbm4b:s4+s20], $0x80, s29, s20, $0xb8;
	[tilespmem:$0x1E080] =	vst v63  }
0x46: {  	s29 =	simm.s32 $0x80  }
0x47: {  	[tilespmem:s21], [sflag:$0x2] =	stream.indirect.gather [hbm4b:s4+s20], $0x80, s29, s20, $0xb8;
	[tilespmem:$0x1E080] =	vst v63  }
0x48: {  	_ =	swait.ge [sflag:s22], $0x4000  }
0x49: {  	[sflag:s22] =	ssyncset.done $0x0  }
0x4a: {  	s29 =	simm.s32 $0x1400;
	[sflag:s22] =	ssyncadd.s32 $0xFFFFC000  }
0x4b: {  	[spmem:s1] =	stream.indirect.scatter.add.f32 [tilespmem:s17], [sflag:$0x3], $0x80, s29, s20, $0xb8;
	[tilespmem:$0x1E080] =	vst v63  }
0x4c: {  	_ =	swait.ge [sflag:s18], $0x4000  }
0x4d: {  	[sflag:s18] =	ssyncset.done $0x0  }
0x4e: {  	s29 =	simm.s32 $0x100;
	[sflag:s18] =	ssyncadd.s32 $0xFFFFC000  }
0x4f: {  	[tilespmem:s17], [sflag:$0x1] =	stream.indirect.gather [hbm4b:s4+s20], $0x80, s29, s20, $0xb8;
	[tilespmem:$0x1E080] =	vst v63  }
0x50: {  	_ =	swait.ge [sflag:s23], $0x4000  }
0x51: {  	[sflag:s23] =	ssyncset.done $0x0  }
0x52: {  	s29 =	simm.s32 $0x1480;
	[sflag:s23] =	ssyncadd.s32 $0xFFFFC000  }
0x53: {  	[spmem:s1] =	stream.indirect.scatter.add.f32 [tilespmem:s21], [sflag:$0x3], $0x80, s29, s20, $0xb8;
	[tilespmem:$0x1E080] =	vst v63  }
0x54: {  	_ =	swait.ge [sflag:s18], $0x4000  }
0x55: {  	s30 =	simm.s32 $0x800;
	s29 =	simm.s32 $0x100;
	[sflag:s18] =	ssyncset.done $0x0  }
.LBB2_4:
0x56: {  	s31 =	sadd.s32 $0x80, s29  }
0x57: {  	[sflag:s18] =	ssyncadd.s32 $0xFFFFC000;
	s0 =	smov.u32 s30;
	s3 =	sadd.s32 $0x400, s30  }
0x58: {  	[tilespmem:s21], [sflag:$0x2] =	stream.indirect.gather [hbm4b:s4+s20], $0x80, s31, s20, $0xb8;
	[tilespmem:$0x1E080] =	vst v63  }
0x59: {  	p1 =	sne.s32 s30, $0x4800;
	_ =	swait.ge [sflag:s22], $0x4000  }
0x5a: {  	[sflag:s22] =	ssyncset.done $0x0  }
0x5b: {  	s30 =	sadd.s32 $0x1400, s29;
	[sflag:s22] =	ssyncadd.s32 $0xFFFFC000  }
0x5c: {  	[spmem:s1] =	stream.indirect.scatter.add.f32 [tilespmem:s17], [sflag:$0x3], $0x80, s30, s20, $0xb8;
	[tilespmem:$0x1E080] =	vst v63  }
0x5d: {  	_ =	swait.ge [sflag:s18], $0x4000  }
0x5e: {  	[sflag:s18] =	ssyncset.done $0x0  }
0x5f: {  	s30 =	sadd.s32 $0x100, s29;
	[sflag:s18] =	ssyncadd.s32 $0xFFFFC000  }
0x60: {  	[tilespmem:s17], [sflag:$0x1] =	stream.indirect.gather [hbm4b:s4+s20], $0x80, s30, s20, $0xb8;
	[tilespmem:$0x1E080] =	vst v63  }
0x61: {  	_ =	swait.ge [sflag:s23], $0x4000  }
.Ltmp1:
0x62: {  	[sflag:s23] =	ssyncset.done $0x0;
	(pc) =	sbr.rel @p1 .LBB2_4-.Ltmp1, $4  }
0x63: {  	s29 =	sadd.s32 $0x1480, s29;
	[sflag:s23] =	ssyncadd.s32 $0xFFFFC000  }
0x64: {  	[spmem:s1] =	stream.indirect.scatter.add.f32 [tilespmem:s21], [sflag:$0x3], $0x80, s29, s20, $0xb8;
	[tilespmem:$0x1E080] =	vst v63  }
0x65: {  	_ =	swait.ge [sflag:s18], $0x4000  }
0x66: {  	s30 =	smov.u32 s3;
	s29 =	sshra.s32 s0, $0x2;
	[sflag:s18] =	ssyncset.done $0x0  }
0x67: {  	s0 =	sadd.s32 $0x80, s29;
	[sflag:s18] =	ssyncadd.s32 $0xFFFFC000  }
0x68: {  	[tilespmem:s21], [sflag:$0x2] =	stream.indirect.gather [hbm4b:s4+s20], $0x80, s0, s20, $0xb8;
	[tilespmem:$0x1E080] =	vst v63  }
0x69: {  	_ =	swait.ge [sflag:s22], $0x4000  }
0x6a: {  	[sflag:s22] =	ssyncset.done $0x0  }
0x6b: {  	s3 =	sadd.s32 $0x1400, s29;
	[sflag:s22] =	ssyncadd.s32 $0xFFFFC000  }
0x6c: {  	[spmem:s1] =	stream.indirect.scatter.add.f32 [tilespmem:s17], [sflag:$0x3], $0x80, s3, s20, $0xb8;
	[tilespmem:$0x1E080] =	vst v63  }
0x6d: {  	_ =	swait.ge [sflag:s18], $0x4000  }
0x6e: {  	[sflag:s18] =	ssyncset.done $0x0  }
0x6f: {  	s31 =	sadd.s32 $0x100, s29;
	[sflag:s18] =	ssyncadd.s32 $0xFFFFC000  }
0x70: {  	[tilespmem:s17], [sflag:$0x1] =	stream.indirect.gather [hbm4b:s4+s20], $0x80, s31, s20, $0xb8;
	[tilespmem:$0x1E080] =	vst v63  }
0x71: {  	_ =	swait.ge [sflag:s23], $0x4000  }
0x72: {  	[sflag:s23] =	ssyncset.done $0x0  }
0x73: {  	s3 =	sadd.s32 $0x1480, s29;
	[sflag:s23] =	ssyncadd.s32 $0xFFFFC000  }
0x74: {  	[spmem:s1] =	stream.indirect.scatter.add.f32 [tilespmem:s21], [sflag:$0x3], $0x80, s3, s20, $0xb8;
	[tilespmem:$0x1E080] =	vst v63  }
0x75: {  	_ =	swait.ge [sflag:s18], $0x4000  }
0x76: {  	[sflag:s18] =	ssyncset.done $0x0  }
0x77: {  	[sflag:s18] =	ssyncadd.s32 $0xFFFFC000  }
0x78: {  	[tilespmem:s21], [sflag:$0x2] =	stream.indirect.gather [hbm4b:s4+s20], $0x80, s24, s20, $0xb8;
	[tilespmem:$0x1E080] =	vst v63  }
0x79: {  	_ =	swait.ge [sflag:s22], $0x4000  }
0x7a: {  	[sflag:s22] =	ssyncset.done $0x0  }
0x7b: {  	[sflag:s22] =	ssyncadd.s32 $0xFFFFC000  }
0x7c: {  	[spmem:s1] =	stream.indirect.scatter.add.f32 [tilespmem:s17], [sflag:$0x3], $0x80, s26, s20, $0xb8;
	[tilespmem:$0x1E080] =	vst v63  }
0x7d: {  	_ =	swait.ge [sflag:s18], $0x4000  }
0x7e: {  	[sflag:s18] =	ssyncset.done $0x0  }
0x7f: {  	[sflag:s18] =	ssyncadd.s32 $0xFFFFC000  }
0x80: {  	[tilespmem:s17], [sflag:$0x1] =	stream.indirect.gather [hbm4b:s4+s20], $0x80, s24, s20, $0xb8;
	[tilespmem:$0x1E080] =	vst v63  }
0x81: {  	_ =	swait.ge [sflag:s23], $0x4000  }
0x82: {  	[sflag:s23] =	ssyncset.done $0x0  }
0x83: {  	[sflag:s23] =	ssyncadd.s32 $0xFFFFC000  }
0x84: {  	[spmem:s1] =	stream.indirect.scatter.add.f32 [tilespmem:s21], [sflag:$0x3], $0x80, s28, s20, $0xb8;
	[tilespmem:$0x1E080] =	vst v63  }
0x85: {  	_ =	swait.ge [sflag:s18], $0x4000  }
0x86: {  	[sflag:s18] =	ssyncset.done $0x0  }
0x87: {  	[sflag:s18] =	ssyncadd.s32 $0xFFFFC000  }
0x88: {  	_ =	swait.ge [sflag:s22], $0x4000  }
0x89: {  	[sflag:s22] =	ssyncset.done $0x0  }
0x8a: {  	s31 =	simm.s32 $0x0;
	[sflag:s22] =	ssyncadd.s32 $0xFFFFC000  }
0x8b: {  	[tilespmem:s31], [sflag:$0x3] =	stream.linear.gather [hbm4b:s15+s31], $0x1400, $0x38;
	[tilespmem:$0x1E080] =	vst v63  }
0x8c: {  	_ =	swait.ge [sflag:s18], $0x1400  }
0x8d: {  	[sflag:s18] =	ssyncset.done $0x0  }
0x8e: {  	[sflag:s18] =	ssyncadd.s32 $0xFFFFEC00  }
0x8f: {  	[tilespmem:s19], [sflag:$0x3] =	stream.linear.gather [hbm4b:s16+s31], $0x1400, $0x38;
	[tilespmem:$0x1E080] =	vst v63  }
0x90: {  	_ =	swait.ge [sflag:s18], $0x1400  }
0x91: {  	[sflag:s18] =	ssyncset.done $0x0  }
0x92: {  	[sflag:s18] =	ssyncadd.s32 $0xFFFFEC00  }
0x93: {  	[tilespmem:s17], [sflag:$0x1] =	stream.indirect.gather [hbm4b:s4+s20], $0x80, s31, s20, $0xb8;
	[tilespmem:$0x1E080] =	vst v63  }
0x94: {  	s3 =	simm.s32 $0x80  }
0x95: {  	[tilespmem:s21], [sflag:$0x2] =	stream.indirect.gather [hbm4b:s4+s20], $0x80, s3, s20, $0xb8;
	[tilespmem:$0x1E080] =	vst v63  }
0x96: {  	_ =	swait.ge [sflag:s22], $0x4000  }
0x97: {  	[sflag:s22] =	ssyncset.done $0x0  }
0x98: {  	s31 =	simm.s32 $0x1400;
	[sflag:s22] =	ssyncadd.s32 $0xFFFFC000  }
0x99: {  	[spmem:s1] =	stream.indirect.scatter.add.f32 [tilespmem:s17], [sflag:$0x3], $0x80, s31, s20, $0xb8;
	[tilespmem:$0x1E080] =	vst v63  }
0x9a: {  	_ =	swait.ge [sflag:s18], $0x4000  }
0x9b: {  	[sflag:s18] =	ssyncset.done $0x0  }
0x9c: {  	s3 =	simm.s32 $0x100;
	[sflag:s18] =	ssyncadd.s32 $0xFFFFC000  }
0x9d: {  	[tilespmem:s17], [sflag:$0x1] =	stream.indirect.gather [hbm4b:s4+s20], $0x80, s3, s20, $0xb8;
	[tilespmem:$0x1E080] =	vst v63  }
0x9e: {  	_ =	swait.ge [sflag:s23], $0x4000  }
0x9f: {  	[sflag:s23] =	ssyncset.done $0x0  }
0xa0: {  	s31 =	simm.s32 $0x1480;
	[sflag:s23] =	ssyncadd.s32 $0xFFFFC000  }
0xa1: {  	[spmem:s1] =	stream.indirect.scatter.add.f32 [tilespmem:s21], [sflag:$0x3], $0x80, s31, s20, $0xb8;
	[tilespmem:$0x1E080] =	vst v63  }
0xa2: {  	_ =	swait.ge [sflag:s18], $0x4000  }
0xa3: {  	s30 =	simm.s32 $0x800;
	s29 =	simm.s32 $0x100;
	[sflag:s18] =	ssyncset.done $0x0  }
.LBB2_6:
0xa4: {  	s0 =	sadd.s32 $0x80, s29  }
0xa5: {  	[sflag:s18] =	ssyncadd.s32 $0xFFFFC000;
	s3 =	smov.u32 s30;
	s31 =	sadd.s32 $0x400, s30  }
0xa6: {  	[tilespmem:s21], [sflag:$0x2] =	stream.indirect.gather [hbm4b:s4+s20], $0x80, s0, s20, $0xb8;
	[tilespmem:$0x1E080] =	vst v63  }
0xa7: {  	p1 =	sne.s32 s30, $0x4800;
	_ =	swait.ge [sflag:s22], $0x4000  }
0xa8: {  	[sflag:s22] =	ssyncset.done $0x0  }
0xa9: {  	s0 =	sadd.s32 $0x1400, s29;
	[sflag:s22] =	ssyncadd.s32 $0xFFFFC000  }
0xaa: {  	[spmem:s1] =	stream.indirect.scatter.add.f32 [tilespmem:s17], [sflag:$0x3], $0x80, s0, s20, $0xb8;
	[tilespmem:$0x1E080] =	vst v63  }
0xab: {  	_ =	swait.ge [sflag:s18], $0x4000  }
0xac: {  	[sflag:s18] =	ssyncset.done $0x0  }
0xad: {  	s0 =	sadd.s32 $0x100, s29;
	[sflag:s18] =	ssyncadd.s32 $0xFFFFC000  }
0xae: {  	[tilespmem:s17], [sflag:$0x1] =	stream.indirect.gather [hbm4b:s4+s20], $0x80, s0, s20, $0xb8;
	[tilespmem:$0x1E080] =	vst v63  }
0xaf: {  	_ =	swait.ge [sflag:s23], $0x4000  }
.Ltmp2:
0xb0: {  	[sflag:s23] =	ssyncset.done $0x0;
	(pc) =	sbr.rel @p1 .LBB2_6-.Ltmp2, $4  }
0xb1: {  	s0 =	sadd.s32 $0x1480, s29;
	[sflag:s23] =	ssyncadd.s32 $0xFFFFC000  }
0xb2: {  	[spmem:s1] =	stream.indirect.scatter.add.f32 [tilespmem:s21], [sflag:$0x3], $0x80, s0, s20, $0xb8;
	[tilespmem:$0x1E080] =	vst v63  }
0xb3: {  	_ =	swait.ge [sflag:s18], $0x4000  }
0xb4: {  	s30 =	smov.u32 s31;
	s29 =	sshra.s32 s3, $0x2;
	[sflag:s18] =	ssyncset.done $0x0  }
0xb5: {  	s0 =	sadd.s32 $0x80, s29;
	[sflag:s18] =	ssyncadd.s32 $0xFFFFC000  }
0xb6: {  	[tilespmem:s21], [sflag:$0x2] =	stream.indirect.gather [hbm4b:s4+s20], $0x80, s0, s20, $0xb8;
	[tilespmem:$0x1E080] =	vst v63  }
0xb7: {  	_ =	swait.ge [sflag:s22], $0x4000  }
0xb8: {  	[sflag:s22] =	ssyncset.done $0x0  }
0xb9: {  	s31 =	sadd.s32 $0x1400, s29;
	[sflag:s22] =	ssyncadd.s32 $0xFFFFC000  }
0xba: {  	[spmem:s1] =	stream.indirect.scatter.add.f32 [tilespmem:s17], [sflag:$0x3], $0x80, s31, s20, $0xb8;
	[tilespmem:$0x1E080] =	vst v63  }
0xbb: {  	_ =	swait.ge [sflag:s18], $0x4000  }
0xbc: {  	[sflag:s18] =	ssyncset.done $0x0  }
0xbd: {  	s3 =	sadd.s32 $0x100, s29;
	[sflag:s18] =	ssyncadd.s32 $0xFFFFC000  }
0xbe: {  	[tilespmem:s17], [sflag:$0x1] =	stream.indirect.gather [hbm4b:s4+s20], $0x80, s3, s20, $0xb8;
	[tilespmem:$0x1E080] =	vst v63  }
0xbf: {  	_ =	swait.ge [sflag:s23], $0x4000  }
0xc0: {  	[sflag:s23] =	ssyncset.done $0x0  }
0xc1: {  	s30 =	sadd.s32 $0x1480, s29;
	[sflag:s23] =	ssyncadd.s32 $0xFFFFC000  }
0xc2: {  	[spmem:s1] =	stream.indirect.scatter.add.f32 [tilespmem:s21], [sflag:$0x3], $0x80, s30, s20, $0xb8;
	[tilespmem:$0x1E080] =	vst v63  }
0xc3: {  	_ =	swait.ge [sflag:s18], $0x4000  }
0xc4: {  	[sflag:s18] =	ssyncset.done $0x0  }
0xc5: {  	[sflag:s18] =	ssyncadd.s32 $0xFFFFC000  }
0xc6: {  	[tilespmem:s21], [sflag:$0x2] =	stream.indirect.gather [hbm4b:s4+s20], $0x80, s24, s20, $0xb8;
	[tilespmem:$0x1E080] =	vst v63  }
0xc7: {  	_ =	swait.ge [sflag:s22], $0x4000  }
0xc8: {  	[sflag:s22] =	ssyncset.done $0x0  }
0xc9: {  	[sflag:s22] =	ssyncadd.s32 $0xFFFFC000  }
0xca: {  	[spmem:s1] =	stream.indirect.scatter.add.f32 [tilespmem:s17], [sflag:$0x3], $0x80, s26, s20, $0xb8;
	[tilespmem:$0x1E080] =	vst v63  }
0xcb: {  	_ =	swait.ge [sflag:s18], $0x4000  }
0xcc: {  	[sflag:s18] =	ssyncset.done $0x0  }
0xcd: {  	[sflag:s18] =	ssyncadd.s32 $0xFFFFC000  }
0xce: {  	[tilespmem:s17], [sflag:$0x1] =	stream.indirect.gather [hbm4b:s4+s20], $0x80, s24, s20, $0xb8;
	[tilespmem:$0x1E080] =	vst v63  }
0xcf: {  	_ =	swait.ge [sflag:s23], $0x4000  }
0xd0: {  	[sflag:s23] =	ssyncset.done $0x0  }
0xd1: {  	[sflag:s23] =	ssyncadd.s32 $0xFFFFC000  }
0xd2: {  	[spmem:s1] =	stream.indirect.scatter.add.f32 [tilespmem:s21], [sflag:$0x3], $0x80, s28, s20, $0xb8;
	[tilespmem:$0x1E080] =	vst v63  }
0xd3: {  	_ =	swait.ge [sflag:s18], $0x4000  }
0xd4: {  	[sflag:s18] =	ssyncset.done $0x0  }
0xd5: {  	[sflag:s18] =	ssyncadd.s32 $0xFFFFC000  }
0xd6: {  	_ =	swait.ge [sflag:s22], $0x4000  }
0xd7: {  	s31 =	stileid.u32;
	[sflag:s22] =	ssyncset.done $0x0  }
0xd8: {  	s0 =	sshll.u32 s31, $0x6;
	[sflag:s22] =	ssyncadd.s32 $0xFFFFC000  }
0xd9: {  	s0 =	sor.u32 $0x1C03, s0;
	s3 =	sshrl.u32 s5, $0x3;
	[bflag:$0x0] =	sbarrier.arrive $0xFFFF  }
0xda: {  	[hbm:s25], [sflag:s0] =	dma.local [spmem:s3], $0x2700  }
0xdb: {  	_ =	swait.ge [sflag:s18], $0x2700  }
0xdc: {  	s29 =	sshrl.u32 @!p0 s7, $0x3;
	s2 =	sadd.s32 $0x1, s2;
	[sflag:s18] =	ssyncset.done $0x0  }
0xdd: {  	p1 =	sne.s32 s2, s9;
	s3 =	sadd.s32 @!p0 $0x27000, s8;
	[sflag:s18] =	ssyncadd.s32 $0xFFFFD900  }
0xde: {  	[hbm:s3], [sflag:s0] =	dma.local @!p0 [spmem:s29], $0x100  }
.Ltmp3:
0xdf: {  	_ = 	snop;
	(pc) =	sbr.rel @p1 .LBB2_1-.Ltmp3, $4  }
0xe0: {  	s0 =	simm.s32 @!p0 $0x3  }
0xe1: {  	_ =	swait.ge @!p0 [sflag:s0], $0x100  }
0xe2: {  	[sflag:s0] =	ssyncset.done @!p0 $0x0  }
0xe3: {  	[sflag:s0] =	ssyncadd.s32 @!p0 $0xFFFFFF00  }
0xe4: {  	_ =	sfence.sel $0x180000  }
0xe5: {  	[bflag:$0x0] =	sbarrier.arrive $0xFFFF  }
0xe6: {  	_ =	strace $0x9000004A  }
0xe7: {  	s0 =	stileid.u32;
	[bflag:$0x2] =	sbarrier.arrive $0xFFFF  }
0xe8: {  	p0 =	sne.s32 s0, $0x0;
	s0 =	rddreg [dreg:$0x3]  }
0xe9: {  	s0 =	sadd.s32 @!p0 $0x100000, s0  }
0xea: {  	[sflag:s0] =	ssyncadd.tile.s32 @!p0 $0x1;
	_ =	shalt  }
.Lfunc_end2:
_tile_overlayer_lowered:
.L_overlay_start_2:
0xeb: {  	(tag) =	ssettag $0x2  }
0xec: {  	s0 =	rddreg [dreg:$0x0];
	s2 =	stileid.u32  }
0xed: {  	s1 =	rddreg [dreg:$0x1];
	p0 =	sne.s32 s2, $0x0  }
0xee: {  	s3 =	rddreg [dreg:$0x2];
	[bflag:$0x3] =	sbarrier.arrive $0xFFFF;
	s2 =	simm.s32 @!p0 $0x1C03  }
0xef: {  	[timem:s3], [sflag:s2] =	dma.local @!p0 [hbm:s0], s1  }
0xf0: {  	s0 =	simm.s32 @!p0 $0x3  }
0xf1: {  	_ =	swait.ge @!p0 [sflag:s0], s1  }
0xf2: {  	s1 =	ssub.s32 @!p0 $0x0, s1;
	[sflag:s0] =	ssyncset.done @!p0 $0x0  }
0xf3: {  	[sflag:s0] =	ssyncadd.s32 @!p0 s1  }
0xf4: {  	[bflag:$0x3] =	sbarrier.arrive $0xFFFF  }
0xf5: {  	_ =	shalt  }

</sc_bundles>
